<compile_context>
chip_gen: v7x
topology: tpu7x:2x2x1
jax: 0.10.2.dev20260603
libtpu: 0.0.44.dev20260713+nightly
codegen_flags: <defaults>
</compile_context>

<pallas_src>
import functools
import jax
import jax.numpy as jnp
from jax import lax
from jax.experimental import pallas as pl
from jax.experimental.pallas import tpu as pltpu
from jax.experimental.pallas import tpu_sc as plsc

_N = 10000
_E = 320000
_F = 128
_R = 8
_B = 4

_NC = 2
_NS = 16
_NW = _NC * _NS
_EPW = _E // _NW
_CH = 80
_NCHUNK = _EPW // _CH
_DR = 624

_BN = 10000
_NB = _N // _BN
_BNC = 10000
_NBC = _N // _BNC


def _relmm_body(x_ref, wc_ref, basis_ref, y_ref):
    r = pl.program_id(1)
    w = wc_ref[r, 0] * basis_ref[0]
    for b in range(1, _B):
        w = w + wc_ref[r, b] * basis_ref[b]
    y_ref[...] = jnp.dot(x_ref[...], w, preferred_element_type=jnp.float32)


def _relation_matmul(x, w_comp, basis):
    return pl.pallas_call(
        _relmm_body,
        grid=(_NB, _R),
        in_specs=[
            pl.BlockSpec((_BN, _F), lambda n, r: (n, 0)),
            pl.BlockSpec(memory_space=pltpu.SMEM),
            pl.BlockSpec((_B, _F, _F), lambda n, r: (0, 0, 0)),
        ],
        out_specs=pl.BlockSpec((_BN, _F), lambda n, r: (r * _NB + n, 0)),
        out_shape=jax.ShapeDtypeStruct((_R * _N, _F), jnp.float32),
    )(x, w_comp, basis)


def _edge_body(y_hbm, srcs_hbm, dsts_hbm, et_hbm, out_hbm,
               gidx_v, dst_v, rows_v, accum, gsem, ssem):
    cid = lax.axis_index("c")
    sid = lax.axis_index("s")
    wid = cid * _NS + sid
    base = wid * _EPW

    pltpu.sync_copy(srcs_hbm.at[pl.ds(base, _EPW)], gidx_v)
    pltpu.sync_copy(et_hbm.at[pl.ds(base, _EPW)], dst_v)

    def cbody(i, _):
        s = gidx_v[pl.ds(i * 16, 16)]
        t = dst_v[pl.ds(i * 16, 16)]
        gidx_v[pl.ds(i * 16, 16)] = t * _N + s
        return 0

    lax.fori_loop(0, _EPW // 16, cbody, 0)
    pltpu.sync_copy(dsts_hbm.at[pl.ds(base, _EPW)], dst_v)

    def _gather(c, slot):
        return pltpu.async_copy(y_hbm.at[gidx_v.at[pl.ds(c * _CH, _CH)]],
                                rows_v.at[slot], gsem.at[slot])

    _gather(0, 1)
    _gather(1, 2)

    def zbody(i, _):
        rows_v[0, i // 8, pl.ds((i % 8) * 16, 16)] = jnp.zeros((16,),
                                                               jnp.float32)
        return 0

    lax.fori_loop(0, _CH * 8, zbody, 0)
    for k in range(_DR // _CH):
        pltpu.sync_copy(rows_v.at[0], accum.at[pl.ds(sid * _DR + k * _CH,
                                                     _CH)])
    pltpu.sync_copy(rows_v.at[0, pl.ds(0, _DR % _CH)],
                    accum.at[pl.ds(sid * _DR + _DR - _DR % _CH, _DR % _CH)])

    @pl.when(sid == _NS - 1)
    def _zero_tail():
        pltpu.sync_copy(rows_v.at[0, pl.ds(0, _N - _NS * _DR)],
                        accum.at[pl.ds(_NS * _DR, _N - _NS * _DR)])

    plsc.subcore_barrier()

    def _scatter_descr(c, slot):
        return (rows_v.at[slot], accum.at[dst_v.at[pl.ds(c * _CH, _CH)]],
                ssem.at[slot])

    def ebody(c, _):
        slot = lax.rem(c + 1, 3)
        nxt = lax.rem(c, 3)

        @pl.when(c >= 1)
        def _drain_prev_scatter():
            s, d, sm = _scatter_descr(c - 1, nxt)
            pltpu.make_async_copy(s, d, sm).wait()

        @pl.when(c + 2 < _NCHUNK)
        def _start_next():
            _gather(c + 2, nxt)

        pltpu.make_async_copy(y_hbm.at[gidx_v.at[pl.ds(c * _CH, _CH)]],
                              rows_v.at[slot], gsem.at[slot]).wait()
        s, d, sm = _scatter_descr(c, slot)
        pltpu.async_copy(s, d, sm, add=True)
        return 0

    lax.fori_loop(0, _NCHUNK, ebody, 0)
    s, d, sm = _scatter_descr(_NCHUNK - 1, lax.rem(_NCHUNK, 3))
    pltpu.make_async_copy(s, d, sm).wait()
    plsc.subcore_barrier()

    pltpu.sync_copy(accum.at[pl.ds(sid * _DR, _DR)],
                    out_hbm.at[cid, pl.ds(sid * _DR, _DR)])

    @pl.when(sid == _NS - 1)
    def _dump_tail():
        pltpu.sync_copy(accum.at[pl.ds(_NS * _DR, _N - _NS * _DR)],
                        out_hbm.at[cid, pl.ds(_NS * _DR, _N - _NS * _DR)])


def _edge_aggregate(y_flat, srcs, dsts, etypes):
    mesh = plsc.VectorSubcoreMesh(core_axis_name="c", subcore_axis_name="s")
    fn = functools.partial(
        pl.kernel,
        mesh=mesh,
        out_type=jax.ShapeDtypeStruct((_NC, _N, _F), jnp.float32),
        scratch_types=[
            pltpu.VMEM((_EPW,), jnp.int32),
            pltpu.VMEM((_EPW,), jnp.int32),
            pltpu.VMEM((3, _CH, _F), jnp.float32),
            pltpu.VMEM_SHARED((_N, _F), jnp.float32),
            pltpu.SemaphoreType.DMA((3,)),
            pltpu.SemaphoreType.DMA((3,)),
        ],
    )(_edge_body)
    return fn(y_flat, srcs, dsts, etypes)


def _final_body(part_ref, x_ref, lw_ref, bias_ref, out_ref):
    acc = jnp.dot(x_ref[...], lw_ref[...], preferred_element_type=jnp.float32)
    out_ref[...] = acc + part_ref[0] + part_ref[1] + bias_ref[0]


def _final(parts, x, loop_weight, h_bias):
    return pl.pallas_call(
        _final_body,
        grid=(_NBC,),
        in_specs=[
            pl.BlockSpec((_NC, _BNC, _F), lambda n: (0, n, 0)),
            pl.BlockSpec((_BNC, _F), lambda n: (n, 0)),
            pl.BlockSpec((_F, _F), lambda n: (0, 0)),
            pl.BlockSpec((1, _F), lambda n: (0, 0)),
        ],
        out_specs=pl.BlockSpec((_BNC, _F), lambda n: (n, 0)),
        out_shape=jax.ShapeDtypeStruct((_N, _F), jnp.float32),
    )(parts, x, loop_weight, h_bias)


def kernel(x, edge_index, etypes, basis, w_comp, h_bias, loop_weight):
    y = _relation_matmul(x, w_comp, basis)
    parts = _edge_aggregate(y, edge_index[0], edge_index[1], etypes)
    return _final(parts, x, loop_weight, h_bias.reshape(1, _F))

# --- scband reference (transcript-rebuilt; emitter-appended) ---
"""Pipeline reference for scband-rel-graph-conv-49289044689304 (READ-ONLY COPY).

The authoritative reference and input builder live on the scoring server;
editing this copy changes nothing except your own understanding.
"""

import jax, jax.numpy as jnp
import numpy as np

N = 10000
E = 320000
IN_FEAT = 128
OUT_FEAT = 128
NUM_RELS = 8
NUM_BASES = 4


def setup_inputs(seed: int = 0) -> dict:
    key = jax.random.key(seed)
    k1, k2, k3, k4, k5, k6 = jax.random.split(key, 6)
    x = jax.random.normal(k1, (N, IN_FEAT), dtype=jnp.float32)
    edge_index = jax.random.randint(k2, (2, E), 0, N, dtype=jnp.int32)
    etypes = jax.random.randint(k3, (E,), 0, NUM_RELS, dtype=jnp.int32)
    glorot_w = float(np.sqrt(6.0 / (IN_FEAT + OUT_FEAT)))
    basis = jax.random.uniform(k4, (NUM_BASES, IN_FEAT, OUT_FEAT), dtype=jnp.float32, minval=-glorot_w, maxval=glorot_w)
    glorot_c = float(np.sqrt(6.0 / (NUM_RELS + NUM_BASES)))
    w_comp = jax.random.uniform(k5, (NUM_RELS, NUM_BASES), dtype=jnp.float32, minval=-glorot_c, maxval=glorot_c)
    h_bias = jnp.zeros((OUT_FEAT,), dtype=jnp.float32)
    loop_weight = jax.random.uniform(k6, (IN_FEAT, OUT_FEAT), dtype=jnp.float32, minval=-glorot_w, maxval=glorot_w)
    return {"x": x, "edge_index": edge_index, "etypes": etypes, "basis": basis,
            "w_comp": w_comp, "h_bias": h_bias, "loop_weight": loop_weight}


def reference(x, edge_index, etypes, basis, w_comp, h_bias, loop_weight):
    # Basis decomposition: W_r = sum_b a_rb * V_b
    weight = (w_comp @ basis.reshape(NUM_BASES, IN_FEAT * OUT_FEAT)).reshape(NUM_RELS, IN_FEAT, OUT_FEAT)
    src = edge_index[0]
    dst = edge_index[1]
    # Gather source node features per edge
    h_src = jnp.take(x, src, axis=0)
    # Per-relation message: msg_e = h_src_e @ W_{etype_e}
    # (low-mem equivalent of gathering W[etypes] per edge; identical math)
    msg = jnp.zeros((E, OUT_FEAT), dtype=x.dtype)
    for r in range(NUM_RELS):
        mask = (etypes == r).astype(x.dtype)[:, None]
        msg = msg + mask * (h_src @ weight[r])
    # Sum aggregation to destination nodes
    node_repr = jax.ops.segment_sum(msg, dst, num_segments=N)
    # bias, then self-loop (dropout=0.0, activation=None)
    node_repr = node_repr + h_bias
    node_repr = node_repr + x @ loop_weight
    return node_repr

if __name__ == "__main__":
    import jax
    _d = setup_inputs()
    print(jax.jit(kernel)(*tuple(_d.values())))

</pallas_src>

<mosaic_0001>
#map = affine_map<(d0, d1) -> (0, 0)>
#map1 = affine_map<(d0, d1) -> (0)>
#map2 = affine_map<(d0, d1) -> (0, 0, 0)>
module attributes {stable_mosaic.version = 14 : i64} {
  func.func @_edge_body(%arg0: i32, %arg1: i32, %arg2: memref<80000x128xf32, #tpu.memory_space<hbm>>, %arg3: memref<320000xi32, #tpu.memory_space<hbm>>, %arg4: memref<320000xi32, #tpu.memory_space<hbm>>, %arg5: memref<320000xi32, #tpu.memory_space<hbm>>, %arg6: memref<2x10000x128xf32, #tpu.memory_space<hbm>>, %arg7: memref<10000xi32, #tpu.memory_space<vmem>>, %arg8: memref<10000xi32, #tpu.memory_space<vmem>>, %arg9: memref<3x80x128xf32, #tpu.memory_space<vmem>>, %arg10: memref<10000x128xf32, #tpu.memory_space<vmem_shared>>, %arg11: memref<3x!tpu.dma_semaphore, #tpu.memory_space<semaphore_mem>>, %arg12: memref<3x!tpu.dma_semaphore, #tpu.memory_space<semaphore_mem>>) attributes {dimension_semantics = [#tpu.dimension_semantics<core_parallel>, #tpu.dimension_semantics<subcore_parallel>], iteration_bounds = array<i64: 2, 16>, scalar_prefetch = 0 : i64, scratch_operands = 6 : i64, tpu.core_type = #tpu.core_type<sc_vector_subcore>, window_params = [{transform_indices = #map}, {transform_indices = #map1}, {transform_indices = #map1}, {transform_indices = #map1}, {transform_indices = #map2}]} {
    %mul3A = arith.constant 16 : i32
    %mul3A_0 = arith.muli %arg0, %mul3A : i32
    %add3A = arith.addi %mul3A_0, %arg1 : i32
    %mul3A_1 = arith.constant 10000 : i32
    %mul3A_2 = arith.muli %add3A, %mul3A_1 : i32
    "tpu.region"() ({
      %run_scoped3A_112 = tpu.sem_alloc : memref<!tpu.dma_semaphore, #tpu.memory_space<semaphore_mem>>
      %dma_start3A_113 = tpu.memref_slice %arg3[%mul3A_2] : memref<320000xi32, #tpu.memory_space<hbm>> -> memref<10000xi32, #tpu.memory_space<hbm>>
      %dma_start3A_114 = tpu.memref_slice %arg3[%mul3A_2] : memref<320000xi32, #tpu.memory_space<hbm>> -> memref<10000xi32, #tpu.memory_space<hbm>>
      tpu.enqueue_dma source(%dma_start3A_114 : memref<10000xi32, #tpu.memory_space<hbm>>) target(%arg7 : memref<10000xi32, #tpu.memory_space<vmem>>) target_semaphore(%run_scoped3A_112 : memref<!tpu.dma_semaphore, #tpu.memory_space<semaphore_mem>>)
      %dma_wait3A_115 = tpu.memref_slice %arg3[%mul3A_2] : memref<320000xi32, #tpu.memory_space<hbm>> -> memref<10000xi32, #tpu.memory_space<hbm>>
      %dma_wait3A_116 = tpu.memref_slice %arg3[%mul3A_2] : memref<320000xi32, #tpu.memory_space<hbm>> -> memref<10000xi32, #tpu.memory_space<hbm>>
      tpu.wait_dma2 semaphore(%run_scoped3A_112 : memref<!tpu.dma_semaphore, #tpu.memory_space<semaphore_mem>>) src(%dma_wait3A_116 : memref<10000xi32, #tpu.memory_space<hbm>>) dst(%arg7 : memref<10000xi32, #tpu.memory_space<vmem>>)
      tpu.yield
    }) : () -> ()
    "tpu.region"() ({
      %run_scoped3A_112 = tpu.sem_alloc : memref<!tpu.dma_semaphore, #tpu.memory_space<semaphore_mem>>
      %dma_start3A_113 = tpu.memref_slice %arg5[%mul3A_2] : memref<320000xi32, #tpu.memory_space<hbm>> -> memref<10000xi32, #tpu.memory_space<hbm>>
      %dma_start3A_114 = tpu.memref_slice %arg5[%mul3A_2] : memref<320000xi32, #tpu.memory_space<hbm>> -> memref<10000xi32, #tpu.memory_space<hbm>>
      tpu.enqueue_dma source(%dma_start3A_114 : memref<10000xi32, #tpu.memory_space<hbm>>) target(%arg8 : memref<10000xi32, #tpu.memory_space<vmem>>) target_semaphore(%run_scoped3A_112 : memref<!tpu.dma_semaphore, #tpu.memory_space<semaphore_mem>>)
      %dma_wait3A_115 = tpu.memref_slice %arg5[%mul3A_2] : memref<320000xi32, #tpu.memory_space<hbm>> -> memref<10000xi32, #tpu.memory_space<hbm>>
      %dma_wait3A_116 = tpu.memref_slice %arg5[%mul3A_2] : memref<320000xi32, #tpu.memory_space<hbm>> -> memref<10000xi32, #tpu.memory_space<hbm>>
      tpu.wait_dma2 semaphore(%run_scoped3A_112 : memref<!tpu.dma_semaphore, #tpu.memory_space<semaphore_mem>>) src(%dma_wait3A_116 : memref<10000xi32, #tpu.memory_space<hbm>>) dst(%arg8 : memref<10000xi32, #tpu.memory_space<vmem>>)
      tpu.yield
    }) : () -> ()
    %scan3A = arith.constant 0 : i32
    %scan3A_3 = arith.constant 0 : i32
    %scan3A_4 = arith.constant 625 : i32
    %scan3A_5 = arith.addi %scan3A_3, %scan3A_4 : i32
    %scan3A_6 = arith.constant 1 : i32
    %scan3A_7 = scf.for %scan3A_112 = %scan3A_3 to %scan3A_5 step %scan3A_6 iter_args(%scan3A_113 = %scan3A) -> (i32)  : i32 {
      %mul3A_114 = arith.constant 16 : i32
      %mul3A_115 = arith.muli %scan3A_112, %mul3A_114 : i32
      %get3A = arith.index_cast %mul3A_115 : i32 to index
      %get3A_116 = tpu.vector_load %arg7[%get3A] {strides = array<i32>} : memref<10000xi32, #tpu.memory_space<vmem>>, vector<16xi32>,
      %get3A_117 = vector.shape_cast %get3A_116 : vector<16xi32> to vector<16xi32>
      %mul3A_118 = arith.constant 16 : i32
      %mul3A_119 = arith.muli %scan3A_112, %mul3A_118 : i32
      %get3A_120 = arith.index_cast %mul3A_119 : i32 to index
      %get3A_121 = tpu.vector_load %arg8[%get3A_120] {strides = array<i32>} : memref<10000xi32, #tpu.memory_space<vmem>>, vector<16xi32>,
      %get3A_122 = vector.shape_cast %get3A_121 : vector<16xi32> to vector<16xi32>
      %mul3A_123 = arith.constant 10000 : i32
      %mul3A_124 = vector.broadcast %mul3A_123 : i32 to vector<16xi32>
      %mul3A_125 = arith.muli %get3A_122, %mul3A_124 : vector<16xi32>
      %add3A_126 = arith.addi %mul3A_125, %get3A_117 : vector<16xi32>
      %mul3A_127 = arith.constant 16 : i32
      %mul3A_128 = arith.muli %scan3A_112, %mul3A_127 : i32
      %swap3A = arith.index_cast %mul3A_128 : i32 to index
      %swap3A_129 = tpu.vector_load %arg7[%swap3A] {strides = array<i32>} : memref<10000xi32, #tpu.memory_space<vmem>>, vector<16xi32>,
      %swap3A_130 = vector.shape_cast %swap3A_129 : vector<16xi32> to vector<16xi32>
      %swap3A_131 = vector.shape_cast %add3A_126 : vector<16xi32> to vector<16xi32>
      tpu.vector_store %arg7[%swap3A], %swap3A_131 {strides = array<i32>} : memref<10000xi32, #tpu.memory_space<vmem>>, vector<16xi32>,
      %scan3A_132 = arith.constant 0 : i32
      scf.yield %scan3A_132 : i32
    }
    %scan3A_8 = arith.constant 625 : i32
    "tpu.region"() ({
      %run_scoped3A_112 = tpu.sem_alloc : memref<!tpu.dma_semaphore, #tpu.memory_space<semaphore_mem>>
      %dma_start3A_113 = tpu.memref_slice %arg4[%mul3A_2] : memref<320000xi32, #tpu.memory_space<hbm>> -> memref<10000xi32, #tpu.memory_space<hbm>>
      %dma_start3A_114 = tpu.memref_slice %arg4[%mul3A_2] : memref<320000xi32, #tpu.memory_space<hbm>> -> memref<10000xi32, #tpu.memory_space<hbm>>
      tpu.enqueue_dma source(%dma_start3A_114 : memref<10000xi32, #tpu.memory_space<hbm>>) target(%arg8 : memref<10000xi32, #tpu.memory_space<vmem>>) target_semaphore(%run_scoped3A_112 : memref<!tpu.dma_semaphore, #tpu.memory_space<semaphore_mem>>)
      %dma_wait3A_115 = tpu.memref_slice %arg4[%mul3A_2] : memref<320000xi32, #tpu.memory_space<hbm>> -> memref<10000xi32, #tpu.memory_space<hbm>>
      %dma_wait3A_116 = tpu.memref_slice %arg4[%mul3A_2] : memref<320000xi32, #tpu.memory_space<hbm>> -> memref<10000xi32, #tpu.memory_space<hbm>>
      tpu.wait_dma2 semaphore(%run_scoped3A_112 : memref<!tpu.dma_semaphore, #tpu.memory_space<semaphore_mem>>) src(%dma_wait3A_116 : memref<10000xi32, #tpu.memory_space<hbm>>) dst(%arg8 : memref<10000xi32, #tpu.memory_space<vmem>>)
      tpu.yield
    }) : () -> ()
    %dma_start3A = arith.constant 1 : i32
    %dma_start3A_9 = arith.constant 1 : i32
    %dma_start3A_10 = arith.constant 0 : i32
    %dma_start3A_11 = arith.constant 0 : i32
    %dma_start3A_12 = tpu.memref_slice %arg9[%dma_start3A, %dma_start3A_10, %dma_start3A_11] : memref<3x80x128xf32, #tpu.memory_space<vmem>> -> memref<1x80x128xf32, #tpu.memory_space<vmem>>
    %dma_start3A_13 = tpu.memref_squeeze %dma_start3A_12 : memref<1x80x128xf32, #tpu.memory_space<vmem>> -> memref<80x128xf32, #tpu.memory_space<vmem>>
    %dma_start3A_14 = arith.constant 0 : i32
    %dma_start3A_15 = tpu.memref_slice %arg7[%dma_start3A_14] : memref<10000xi32, #tpu.memory_space<vmem>> -> memref<80xi32, #tpu.memory_space<vmem>>
    %dma_start3A_16 = arith.constant 0 : i32
    %dma_start3A_17 = arith.constant 0 : i32
    %dma_start3A_18 = tpu.memref_slice %arg2[%dma_start3A_16, %dma_start3A_17] : memref<80000x128xf32, #tpu.memory_space<hbm>> -> memref<80000x128xf32, #tpu.memory_space<hbm>>
    %dma_start3A_19 = tpu.memref_slice %arg11[%dma_start3A_9] : memref<3x!tpu.dma_semaphore, #tpu.memory_space<semaphore_mem>> -> memref<1x!tpu.dma_semaphore, #tpu.memory_space<semaphore_mem>>
    %dma_start3A_20 = tpu.memref_squeeze %dma_start3A_19 : memref<1x!tpu.dma_semaphore, #tpu.memory_space<semaphore_mem>> -> memref<!tpu.dma_semaphore, #tpu.memory_space<semaphore_mem>>
    tpu.enqueue_indirect_dma source(%dma_start3A_18 : memref<80000x128xf32, #tpu.memory_space<hbm>>) target(%dma_start3A_13 : memref<80x128xf32, #tpu.memory_space<vmem>>) offsets(%dma_start3A_15 : memref<80xi32, #tpu.memory_space<vmem>>) semaphore(%dma_start3A_20 : memref<!tpu.dma_semaphore, #tpu.memory_space<semaphore_mem>>)
    %dma_start3A_21 = arith.constant 2 : i32
    %dma_start3A_22 = arith.constant 2 : i32
    %dma_start3A_23 = arith.constant 0 : i32
    %dma_start3A_24 = arith.constant 0 : i32
    %dma_start3A_25 = tpu.memref_slice %arg9[%dma_start3A_21, %dma_start3A_23, %dma_start3A_24] : memref<3x80x128xf32, #tpu.memory_space<vmem>> -> memref<1x80x128xf32, #tpu.memory_space<vmem>>
    %dma_start3A_26 = tpu.memref_squeeze %dma_start3A_25 : memref<1x80x128xf32, #tpu.memory_space<vmem>> -> memref<80x128xf32, #tpu.memory_space<vmem>>
    %dma_start3A_27 = arith.constant 80 : i32
    %dma_start3A_28 = tpu.memref_slice %arg7[%dma_start3A_27] : memref<10000xi32, #tpu.memory_space<vmem>> -> memref<80xi32, #tpu.memory_space<vmem>>
    %dma_start3A_29 = arith.constant 0 : i32
    %dma_start3A_30 = arith.constant 0 : i32
    %dma_start3A_31 = tpu.memref_slice %arg2[%dma_start3A_29, %dma_start3A_30] : memref<80000x128xf32, #tpu.memory_space<hbm>> -> memref<80000x128xf32, #tpu.memory_space<hbm>>
    %dma_start3A_32 = tpu.memref_slice %arg11[%dma_start3A_22] : memref<3x!tpu.dma_semaphore, #tpu.memory_space<semaphore_mem>> -> memref<1x!tpu.dma_semaphore, #tpu.memory_space<semaphore_mem>>
    %dma_start3A_33 = tpu.memref_squeeze %dma_start3A_32 : memref<1x!tpu.dma_semaphore, #tpu.memory_space<semaphore_mem>> -> memref<!tpu.dma_semaphore, #tpu.memory_space<semaphore_mem>>
    tpu.enqueue_indirect_dma source(%dma_start3A_31 : memref<80000x128xf32, #tpu.memory_space<hbm>>) target(%dma_start3A_26 : memref<80x128xf32, #tpu.memory_space<vmem>>) offsets(%dma_start3A_28 : memref<80xi32, #tpu.memory_space<vmem>>) semaphore(%dma_start3A_33 : memref<!tpu.dma_semaphore, #tpu.memory_space<semaphore_mem>>)
    %scan3A_34 = arith.constant 0 : i32
    %scan3A_35 = arith.constant 0 : i32
    %scan3A_36 = arith.constant 640 : i32
    %scan3A_37 = arith.addi %scan3A_35, %scan3A_36 : i32
    %scan3A_38 = arith.constant 1 : i32
    %scan3A_39 = scf.for %scan3A_112 = %scan3A_35 to %scan3A_37 step %scan3A_38 iter_args(%scan3A_113 = %scan3A_34) -> (i32)  : i32 {
      %broadcast_in_dim3A = arith.constant 0.000000e+00 : f32
      %broadcast_in_dim3A_114 = vector.broadcast %broadcast_in_dim3A : f32 to vector<16xf32>
      %jit3A = arith.constant 8 : i32
      %div3A = arith.divsi %scan3A_112, %jit3A : i32
      %sign3A = arith.constant 0 : i32
      %sign3A_115 = arith.cmpi sgt, %scan3A_112, %sign3A : i32
      %sign3A_116 = arith.extui %sign3A_115 : i1 to i32
      %sign3A_117 = arith.constant 0 : i32
      %sign3A_118 = arith.cmpi slt, %scan3A_112, %sign3A_117 : i32
      %sign3A_119 = arith.extui %sign3A_118 : i1 to i32
      %sign3A_120 = arith.subi %sign3A_116, %sign3A_119 : i32
      %sign3A_121 = arith.constant 0 : i32
      %sign3A_122 = arith.cmpi sgt, %jit3A, %sign3A_121 : i32
      %sign3A_123 = arith.extui %sign3A_122 : i1 to i32
      %sign3A_124 = arith.constant 0 : i32
      %sign3A_125 = arith.cmpi slt, %jit3A, %sign3A_124 : i32
      %sign3A_126 = arith.extui %sign3A_125 : i1 to i32
      %sign3A_127 = arith.subi %sign3A_123, %sign3A_126 : i32
      %ne3A = arith.cmpi ne, %sign3A_120, %sign3A_127 : i32
      %rem3A_128 = arith.remsi %scan3A_112, %jit3A : i32
      %ne3A_129 = arith.constant 0 : i32
      %ne3A_130 = arith.cmpi ne, %rem3A_128, %ne3A_129 : i32
      %and3A = arith.andi %ne3A, %ne3A_130 : i1
      %sub3A_131 = arith.constant 1 : i32
      %sub3A_132 = arith.subi %div3A, %sub3A_131 : i32
      %select_n3A = arith.select %and3A, %sub3A_132, %div3A : i32
      %jit3A_133 = arith.constant 8 : i32
      %eq3A_134 = arith.constant 0 : i32
      %eq3A_135 = arith.cmpi eq, %jit3A_133, %eq3A_134 : i32
      %jit3A_136 = arith.constant 1 : i32
      %select_n3A_137 = arith.select %eq3A_135, %jit3A_136, %jit3A_133 : i32
      %rem3A_138 = arith.remsi %scan3A_112, %select_n3A_137 : i32
      %ne3A_139 = arith.constant 0 : i32
      %ne3A_140 = arith.cmpi ne, %rem3A_138, %ne3A_139 : i32
      %lt3A = arith.constant 0 : i32
      %lt3A_141 = arith.cmpi slt, %rem3A_138, %lt3A : i32
      %lt3A_142 = arith.constant 0 : i32
      %lt3A_143 = arith.cmpi slt, %select_n3A_137, %lt3A_142 : i32
      %ne3A_144 = arith.xori %lt3A_141, %lt3A_143 : i1
      %and3A_145 = arith.andi %ne3A_144, %ne3A_140 : i1
      %add3A_146 = arith.addi %rem3A_138, %select_n3A_137 : i32
      %select_n3A_147 = arith.select %and3A_145, %add3A_146, %rem3A_138 : i32
      %mul3A_148 = arith.constant 16 : i32
      %mul3A_149 = arith.muli %select_n3A_147, %mul3A_148 : i32
      %swap3A = arith.constant 0 : i32
      %swap3A_150 = arith.index_cast %swap3A : i32 to index
      %swap3A_151 = arith.index_cast %select_n3A : i32 to index
      %swap3A_152 = arith.index_cast %mul3A_149 : i32 to index
      %swap3A_153 = tpu.vector_load %arg9[%swap3A_150, %swap3A_151, %swap3A_152] {strides = array<i32>} : memref<3x80x128xf32, #tpu.memory_space<vmem>>, vector<1x1x16xf32>,
      %swap3A_154 = vector.shape_cast %swap3A_153 : vector<1x1x16xf32> to vector<16xf32>
      %swap3A_155 = vector.shape_cast %broadcast_in_dim3A_114 : vector<16xf32> to vector<1x1x16xf32>
      tpu.vector_store %arg9[%swap3A_150, %swap3A_151, %swap3A_152], %swap3A_155 {strides = array<i32>} : memref<3x80x128xf32, #tpu.memory_space<vmem>>, vector<1x1x16xf32>,
      %scan3A_156 = arith.constant 0 : i32
      scf.yield %scan3A_156 : i32
    }
    %scan3A_40 = arith.constant 640 : i32
    %mul3A_41 = arith.constant 624 : i32
    %mul3A_42 = arith.muli %arg1, %mul3A_41 : i32
    %add3A_43 = arith.constant 0 : i32
    %add3A_44 = arith.addi %mul3A_42, %add3A_43 : i32
    %run_scoped3A = arith.constant 0 : i32
    "tpu.region"() ({
      %run_scoped3A_112 = tpu.sem_alloc : memref<!tpu.dma_semaphore, #tpu.memory_space<semaphore_mem>>
      %dma_start3A_113 = arith.constant 0 : i32
      %dma_start3A_114 = arith.constant 0 : i32
      %dma_start3A_115 = tpu.memref_slice %arg9[%run_scoped3A, %dma_start3A_113, %dma_start3A_114] : memref<3x80x128xf32, #tpu.memory_space<vmem>> -> memref<1x80x128xf32, #tpu.memory_space<vmem>>
      %dma_start3A_116 = tpu.memref_squeeze %dma_start3A_115 : memref<1x80x128xf32, #tpu.memory_space<vmem>> -> memref<80x128xf32, #tpu.memory_space<vmem>>
      %dma_start3A_117 = arith.constant 0 : i32
      %dma_start3A_118 = tpu.memref_slice %arg10[%add3A_44, %dma_start3A_117] : memref<10000x128xf32, #tpu.memory_space<vmem_shared>> -> memref<80x128xf32, #tpu.memory_space<vmem_shared>>
      %dma_start3A_119 = arith.constant 0 : i32
      %dma_start3A_120 = tpu.memref_slice %arg10[%add3A_44, %dma_start3A_119] : memref<10000x128xf32, #tpu.memory_space<vmem_shared>> -> memref<80x128xf32, #tpu.memory_space<vmem_shared>>
      %dma_start3A_121 = arith.constant 0 : i32
      %dma_start3A_122 = arith.constant 0 : i32
      %dma_start3A_123 = tpu.memref_slice %arg9[%run_scoped3A, %dma_start3A_121, %dma_start3A_122] : memref<3x80x128xf32, #tpu.memory_space<vmem>> -> memref<1x80x128xf32, #tpu.memory_space<vmem>>
      %dma_start3A_124 = tpu.memref_squeeze %dma_start3A_123 : memref<1x80x128xf32, #tpu.memory_space<vmem>> -> memref<80x128xf32, #tpu.memory_space<vmem>>
      tpu.enqueue_dma source(%dma_start3A_124 : memref<80x128xf32, #tpu.memory_space<vmem>>) target(%dma_start3A_120 : memref<80x128xf32, #tpu.memory_space<vmem_shared>>) target_semaphore(%run_scoped3A_112 : memref<!tpu.dma_semaphore, #tpu.memory_space<semaphore_mem>>)
      %dma_wait3A_125 = arith.constant 0 : i32
      %dma_wait3A_126 = arith.constant 0 : i32
      %dma_wait3A_127 = tpu.memref_slice %arg9[%run_scoped3A, %dma_wait3A_125, %dma_wait3A_126] : memref<3x80x128xf32, #tpu.memory_space<vmem>> -> memref<1x80x128xf32, #tpu.memory_space<vmem>>
      %dma_wait3A_128 = tpu.memref_squeeze %dma_wait3A_127 : memref<1x80x128xf32, #tpu.memory_space<vmem>> -> memref<80x128xf32, #tpu.memory_space<vmem>>
      %dma_wait3A_129 = arith.constant 0 : i32
      %dma_wait3A_130 = tpu.memref_slice %arg10[%add3A_44, %dma_wait3A_129] : memref<10000x128xf32, #tpu.memory_space<vmem_shared>> -> memref<80x128xf32, #tpu.memory_space<vmem_shared>>
      %dma_wait3A_131 = arith.constant 0 : i32
      %dma_wait3A_132 = tpu.memref_slice %arg10[%add3A_44, %dma_wait3A_131] : memref<10000x128xf32, #tpu.memory_space<vmem_shared>> -> memref<80x128xf32, #tpu.memory_space<vmem_shared>>
      %dma_wait3A_133 = arith.constant 0 : i32
      %dma_wait3A_134 = arith.constant 0 : i32
      %dma_wait3A_135 = tpu.memref_slice %arg9[%run_scoped3A, %dma_wait3A_133, %dma_wait3A_134] : memref<3x80x128xf32, #tpu.memory_space<vmem>> -> memref<1x80x128xf32, #tpu.memory_space<vmem>>
      %dma_wait3A_136 = tpu.memref_squeeze %dma_wait3A_135 : memref<1x80x128xf32, #tpu.memory_space<vmem>> -> memref<80x128xf32, #tpu.memory_space<vmem>>
      tpu.wait_dma2 semaphore(%run_scoped3A_112 : memref<!tpu.dma_semaphore, #tpu.memory_space<semaphore_mem>>) src(%dma_wait3A_136 : memref<80x128xf32, #tpu.memory_space<vmem>>) dst(%dma_wait3A_132 : memref<80x128xf32, #tpu.memory_space<vmem_shared>>)
      tpu.yield
    }) : () -> ()
    %mul3A_45 = arith.constant 624 : i32
    %mul3A_46 = arith.muli %arg1, %mul3A_45 : i32
    %add3A_47 = arith.constant 80 : i32
    %add3A_48 = arith.addi %mul3A_46, %add3A_47 : i32
    %run_scoped3A_49 = arith.constant 0 : i32
    "tpu.region"() ({
      %run_scoped3A_112 = tpu.sem_alloc : memref<!tpu.dma_semaphore, #tpu.memory_space<semaphore_mem>>
      %dma_start3A_113 = arith.constant 0 : i32
      %dma_start3A_114 = arith.constant 0 : i32
      %dma_start3A_115 = tpu.memref_slice %arg9[%run_scoped3A_49, %dma_start3A_113, %dma_start3A_114] : memref<3x80x128xf32, #tpu.memory_space<vmem>> -> memref<1x80x128xf32, #tpu.memory_space<vmem>>
      %dma_start3A_116 = tpu.memref_squeeze %dma_start3A_115 : memref<1x80x128xf32, #tpu.memory_space<vmem>> -> memref<80x128xf32, #tpu.memory_space<vmem>>
      %dma_start3A_117 = arith.constant 0 : i32
      %dma_start3A_118 = tpu.memref_slice %arg10[%add3A_48, %dma_start3A_117] : memref<10000x128xf32, #tpu.memory_space<vmem_shared>> -> memref<80x128xf32, #tpu.memory_space<vmem_shared>>
      %dma_start3A_119 = arith.constant 0 : i32
      %dma_start3A_120 = tpu.memref_slice %arg10[%add3A_48, %dma_start3A_119] : memref<10000x128xf32, #tpu.memory_space<vmem_shared>> -> memref<80x128xf32, #tpu.memory_space<vmem_shared>>
      %dma_start3A_121 = arith.constant 0 : i32
      %dma_start3A_122 = arith.constant 0 : i32
      %dma_start3A_123 = tpu.memref_slice %arg9[%run_scoped3A_49, %dma_start3A_121, %dma_start3A_122] : memref<3x80x128xf32, #tpu.memory_space<vmem>> -> memref<1x80x128xf32, #tpu.memory_space<vmem>>
      %dma_start3A_124 = tpu.memref_squeeze %dma_start3A_123 : memref<1x80x128xf32, #tpu.memory_space<vmem>> -> memref<80x128xf32, #tpu.memory_space<vmem>>
      tpu.enqueue_dma source(%dma_start3A_124 : memref<80x128xf32, #tpu.memory_space<vmem>>) target(%dma_start3A_120 : memref<80x128xf32, #tpu.memory_space<vmem_shared>>) target_semaphore(%run_scoped3A_112 : memref<!tpu.dma_semaphore, #tpu.memory_space<semaphore_mem>>)
      %dma_wait3A_125 = arith.constant 0 : i32
      %dma_wait3A_126 = arith.constant 0 : i32
      %dma_wait3A_127 = tpu.memref_slice %arg9[%run_scoped3A_49, %dma_wait3A_125, %dma_wait3A_126] : memref<3x80x128xf32, #tpu.memory_space<vmem>> -> memref<1x80x128xf32, #tpu.memory_space<vmem>>
      %dma_wait3A_128 = tpu.memref_squeeze %dma_wait3A_127 : memref<1x80x128xf32, #tpu.memory_space<vmem>> -> memref<80x128xf32, #tpu.memory_space<vmem>>
      %dma_wait3A_129 = arith.constant 0 : i32
      %dma_wait3A_130 = tpu.memref_slice %arg10[%add3A_48, %dma_wait3A_129] : memref<10000x128xf32, #tpu.memory_space<vmem_shared>> -> memref<80x128xf32, #tpu.memory_space<vmem_shared>>
      %dma_wait3A_131 = arith.constant 0 : i32
      %dma_wait3A_132 = tpu.memref_slice %arg10[%add3A_48, %dma_wait3A_131] : memref<10000x128xf32, #tpu.memory_space<vmem_shared>> -> memref<80x128xf32, #tpu.memory_space<vmem_shared>>
      %dma_wait3A_133 = arith.constant 0 : i32
      %dma_wait3A_134 = arith.constant 0 : i32
      %dma_wait3A_135 = tpu.memref_slice %arg9[%run_scoped3A_49, %dma_wait3A_133, %dma_wait3A_134] : memref<3x80x128xf32, #tpu.memory_space<vmem>> -> memref<1x80x128xf32, #tpu.memory_space<vmem>>
      %dma_wait3A_136 = tpu.memref_squeeze %dma_wait3A_135 : memref<1x80x128xf32, #tpu.memory_space<vmem>> -> memref<80x128xf32, #tpu.memory_space<vmem>>
      tpu.wait_dma2 semaphore(%run_scoped3A_112 : memref<!tpu.dma_semaphore, #tpu.memory_space<semaphore_mem>>) src(%dma_wait3A_136 : memref<80x128xf32, #tpu.memory_space<vmem>>) dst(%dma_wait3A_132 : memref<80x128xf32, #tpu.memory_space<vmem_shared>>)
      tpu.yield
    }) : () -> ()
    %mul3A_50 = arith.constant 624 : i32
    %mul3A_51 = arith.muli %arg1, %mul3A_50 : i32
    %add3A_52 = arith.constant 160 : i32
    %add3A_53 = arith.addi %mul3A_51, %add3A_52 : i32
    %run_scoped3A_54 = arith.constant 0 : i32
    "tpu.region"() ({
      %run_scoped3A_112 = tpu.sem_alloc : memref<!tpu.dma_semaphore, #tpu.memory_space<semaphore_mem>>
      %dma_start3A_113 = arith.constant 0 : i32
      %dma_start3A_114 = arith.constant 0 : i32
      %dma_start3A_115 = tpu.memref_slice %arg9[%run_scoped3A_54, %dma_start3A_113, %dma_start3A_114] : memref<3x80x128xf32, #tpu.memory_space<vmem>> -> memref<1x80x128xf32, #tpu.memory_space<vmem>>
      %dma_start3A_116 = tpu.memref_squeeze %dma_start3A_115 : memref<1x80x128xf32, #tpu.memory_space<vmem>> -> memref<80x128xf32, #tpu.memory_space<vmem>>
      %dma_start3A_117 = arith.constant 0 : i32
      %dma_start3A_118 = tpu.memref_slice %arg10[%add3A_53, %dma_start3A_117] : memref<10000x128xf32, #tpu.memory_space<vmem_shared>> -> memref<80x128xf32, #tpu.memory_space<vmem_shared>>
      %dma_start3A_119 = arith.constant 0 : i32
      %dma_start3A_120 = tpu.memref_slice %arg10[%add3A_53, %dma_start3A_119] : memref<10000x128xf32, #tpu.memory_space<vmem_shared>> -> memref<80x128xf32, #tpu.memory_space<vmem_shared>>
      %dma_start3A_121 = arith.constant 0 : i32
      %dma_start3A_122 = arith.constant 0 : i32
      %dma_start3A_123 = tpu.memref_slice %arg9[%run_scoped3A_54, %dma_start3A_121, %dma_start3A_122] : memref<3x80x128xf32, #tpu.memory_space<vmem>> -> memref<1x80x128xf32, #tpu.memory_space<vmem>>
      %dma_start3A_124 = tpu.memref_squeeze %dma_start3A_123 : memref<1x80x128xf32, #tpu.memory_space<vmem>> -> memref<80x128xf32, #tpu.memory_space<vmem>>
      tpu.enqueue_dma source(%dma_start3A_124 : memref<80x128xf32, #tpu.memory_space<vmem>>) target(%dma_start3A_120 : memref<80x128xf32, #tpu.memory_space<vmem_shared>>) target_semaphore(%run_scoped3A_112 : memref<!tpu.dma_semaphore, #tpu.memory_space<semaphore_mem>>)
      %dma_wait3A_125 = arith.constant 0 : i32
      %dma_wait3A_126 = arith.constant 0 : i32
      %dma_wait3A_127 = tpu.memref_slice %arg9[%run_scoped3A_54, %dma_wait3A_125, %dma_wait3A_126] : memref<3x80x128xf32, #tpu.memory_space<vmem>> -> memref<1x80x128xf32, #tpu.memory_space<vmem>>
      %dma_wait3A_128 = tpu.memref_squeeze %dma_wait3A_127 : memref<1x80x128xf32, #tpu.memory_space<vmem>> -> memref<80x128xf32, #tpu.memory_space<vmem>>
      %dma_wait3A_129 = arith.constant 0 : i32
      %dma_wait3A_130 = tpu.memref_slice %arg10[%add3A_53, %dma_wait3A_129] : memref<10000x128xf32, #tpu.memory_space<vmem_shared>> -> memref<80x128xf32, #tpu.memory_space<vmem_shared>>
      %dma_wait3A_131 = arith.constant 0 : i32
      %dma_wait3A_132 = tpu.memref_slice %arg10[%add3A_53, %dma_wait3A_131] : memref<10000x128xf32, #tpu.memory_space<vmem_shared>> -> memref<80x128xf32, #tpu.memory_space<vmem_shared>>
      %dma_wait3A_133 = arith.constant 0 : i32
      %dma_wait3A_134 = arith.constant 0 : i32
      %dma_wait3A_135 = tpu.memref_slice %arg9[%run_scoped3A_54, %dma_wait3A_133, %dma_wait3A_134] : memref<3x80x128xf32, #tpu.memory_space<vmem>> -> memref<1x80x128xf32, #tpu.memory_space<vmem>>
      %dma_wait3A_136 = tpu.memref_squeeze %dma_wait3A_135 : memref<1x80x128xf32, #tpu.memory_space<vmem>> -> memref<80x128xf32, #tpu.memory_space<vmem>>
      tpu.wait_dma2 semaphore(%run_scoped3A_112 : memref<!tpu.dma_semaphore, #tpu.memory_space<semaphore_mem>>) src(%dma_wait3A_136 : memref<80x128xf32, #tpu.memory_space<vmem>>) dst(%dma_wait3A_132 : memref<80x128xf32, #tpu.memory_space<vmem_shared>>)
      tpu.yield
    }) : () -> ()
    %mul3A_55 = arith.constant 624 : i32
    %mul3A_56 = arith.muli %arg1, %mul3A_55 : i32
    %add3A_57 = arith.constant 240 : i32
    %add3A_58 = arith.addi %mul3A_56, %add3A_57 : i32
    %run_scoped3A_59 = arith.constant 0 : i32
    "tpu.region"() ({
      %run_scoped3A_112 = tpu.sem_alloc : memref<!tpu.dma_semaphore, #tpu.memory_space<semaphore_mem>>
      %dma_start3A_113 = arith.constant 0 : i32
      %dma_start3A_114 = arith.constant 0 : i32
      %dma_start3A_115 = tpu.memref_slice %arg9[%run_scoped3A_59, %dma_start3A_113, %dma_start3A_114] : memref<3x80x128xf32, #tpu.memory_space<vmem>> -> memref<1x80x128xf32, #tpu.memory_space<vmem>>
      %dma_start3A_116 = tpu.memref_squeeze %dma_start3A_115 : memref<1x80x128xf32, #tpu.memory_space<vmem>> -> memref<80x128xf32, #tpu.memory_space<vmem>>
      %dma_start3A_117 = arith.constant 0 : i32
      %dma_start3A_118 = tpu.memref_slice %arg10[%add3A_58, %dma_start3A_117] : memref<10000x128xf32, #tpu.memory_space<vmem_shared>> -> memref<80x128xf32, #tpu.memory_space<vmem_shared>>
      %dma_start3A_119 = arith.constant 0 : i32
      %dma_start3A_120 = tpu.memref_slice %arg10[%add3A_58, %dma_start3A_119] : memref<10000x128xf32, #tpu.memory_space<vmem_shared>> -> memref<80x128xf32, #tpu.memory_space<vmem_shared>>
      %dma_start3A_121 = arith.constant 0 : i32
      %dma_start3A_122 = arith.constant 0 : i32
      %dma_start3A_123 = tpu.memref_slice %arg9[%run_scoped3A_59, %dma_start3A_121, %dma_start3A_122] : memref<3x80x128xf32, #tpu.memory_space<vmem>> -> memref<1x80x128xf32, #tpu.memory_space<vmem>>
      %dma_start3A_124 = tpu.memref_squeeze %dma_start3A_123 : memref<1x80x128xf32, #tpu.memory_space<vmem>> -> memref<80x128xf32, #tpu.memory_space<vmem>>
      tpu.enqueue_dma source(%dma_start3A_124 : memref<80x128xf32, #tpu.memory_space<vmem>>) target(%dma_start3A_120 : memref<80x128xf32, #tpu.memory_space<vmem_shared>>) target_semaphore(%run_scoped3A_112 : memref<!tpu.dma_semaphore, #tpu.memory_space<semaphore_mem>>)
      %dma_wait3A_125 = arith.constant 0 : i32
      %dma_wait3A_126 = arith.constant 0 : i32
      %dma_wait3A_127 = tpu.memref_slice %arg9[%run_scoped3A_59, %dma_wait3A_125, %dma_wait3A_126] : memref<3x80x128xf32, #tpu.memory_space<vmem>> -> memref<1x80x128xf32, #tpu.memory_space<vmem>>
      %dma_wait3A_128 = tpu.memref_squeeze %dma_wait3A_127 : memref<1x80x128xf32, #tpu.memory_space<vmem>> -> memref<80x128xf32, #tpu.memory_space<vmem>>
      %dma_wait3A_129 = arith.constant 0 : i32
      %dma_wait3A_130 = tpu.memref_slice %arg10[%add3A_58, %dma_wait3A_129] : memref<10000x128xf32, #tpu.memory_space<vmem_shared>> -> memref<80x128xf32, #tpu.memory_space<vmem_shared>>
      %dma_wait3A_131 = arith.constant 0 : i32
      %dma_wait3A_132 = tpu.memref_slice %arg10[%add3A_58, %dma_wait3A_131] : memref<10000x128xf32, #tpu.memory_space<vmem_shared>> -> memref<80x128xf32, #tpu.memory_space<vmem_shared>>
      %dma_wait3A_133 = arith.constant 0 : i32
      %dma_wait3A_134 = arith.constant 0 : i32
      %dma_wait3A_135 = tpu.memref_slice %arg9[%run_scoped3A_59, %dma_wait3A_133, %dma_wait3A_134] : memref<3x80x128xf32, #tpu.memory_space<vmem>> -> memref<1x80x128xf32, #tpu.memory_space<vmem>>
      %dma_wait3A_136 = tpu.memref_squeeze %dma_wait3A_135 : memref<1x80x128xf32, #tpu.memory_space<vmem>> -> memref<80x128xf32, #tpu.memory_space<vmem>>
      tpu.wait_dma2 semaphore(%run_scoped3A_112 : memref<!tpu.dma_semaphore, #tpu.memory_space<semaphore_mem>>) src(%dma_wait3A_136 : memref<80x128xf32, #tpu.memory_space<vmem>>) dst(%dma_wait3A_132 : memref<80x128xf32, #tpu.memory_space<vmem_shared>>)
      tpu.yield
    }) : () -> ()
    %mul3A_60 = arith.constant 624 : i32
    %mul3A_61 = arith.muli %arg1, %mul3A_60 : i32
    %add3A_62 = arith.constant 320 : i32
    %add3A_63 = arith.addi %mul3A_61, %add3A_62 : i32
    %run_scoped3A_64 = arith.constant 0 : i32
    "tpu.region"() ({
      %run_scoped3A_112 = tpu.sem_alloc : memref<!tpu.dma_semaphore, #tpu.memory_space<semaphore_mem>>
      %dma_start3A_113 = arith.constant 0 : i32
      %dma_start3A_114 = arith.constant 0 : i32
      %dma_start3A_115 = tpu.memref_slice %arg9[%run_scoped3A_64, %dma_start3A_113, %dma_start3A_114] : memref<3x80x128xf32, #tpu.memory_space<vmem>> -> memref<1x80x128xf32, #tpu.memory_space<vmem>>
      %dma_start3A_116 = tpu.memref_squeeze %dma_start3A_115 : memref<1x80x128xf32, #tpu.memory_space<vmem>> -> memref<80x128xf32, #tpu.memory_space<vmem>>
      %dma_start3A_117 = arith.constant 0 : i32
      %dma_start3A_118 = tpu.memref_slice %arg10[%add3A_63, %dma_start3A_117] : memref<10000x128xf32, #tpu.memory_space<vmem_shared>> -> memref<80x128xf32, #tpu.memory_space<vmem_shared>>
      %dma_start3A_119 = arith.constant 0 : i32
      %dma_start3A_120 = tpu.memref_slice %arg10[%add3A_63, %dma_start3A_119] : memref<10000x128xf32, #tpu.memory_space<vmem_shared>> -> memref<80x128xf32, #tpu.memory_space<vmem_shared>>
      %dma_start3A_121 = arith.constant 0 : i32
      %dma_start3A_122 = arith.constant 0 : i32
      %dma_start3A_123 = tpu.memref_slice %arg9[%run_scoped3A_64, %dma_start3A_121, %dma_start3A_122] : memref<3x80x128xf32, #tpu.memory_space<vmem>> -> memref<1x80x128xf32, #tpu.memory_space<vmem>>
      %dma_start3A_124 = tpu.memref_squeeze %dma_start3A_123 : memref<1x80x128xf32, #tpu.memory_space<vmem>> -> memref<80x128xf32, #tpu.memory_space<vmem>>
      tpu.enqueue_dma source(%dma_start3A_124 : memref<80x128xf32, #tpu.memory_space<vmem>>) target(%dma_start3A_120 : memref<80x128xf32, #tpu.memory_space<vmem_shared>>) target_semaphore(%run_scoped3A_112 : memref<!tpu.dma_semaphore, #tpu.memory_space<semaphore_mem>>)
      %dma_wait3A_125 = arith.constant 0 : i32
      %dma_wait3A_126 = arith.constant 0 : i32
      %dma_wait3A_127 = tpu.memref_slice %arg9[%run_scoped3A_64, %dma_wait3A_125, %dma_wait3A_126] : memref<3x80x128xf32, #tpu.memory_space<vmem>> -> memref<1x80x128xf32, #tpu.memory_space<vmem>>
      %dma_wait3A_128 = tpu.memref_squeeze %dma_wait3A_127 : memref<1x80x128xf32, #tpu.memory_space<vmem>> -> memref<80x128xf32, #tpu.memory_space<vmem>>
      %dma_wait3A_129 = arith.constant 0 : i32
      %dma_wait3A_130 = tpu.memref_slice %arg10[%add3A_63, %dma_wait3A_129] : memref<10000x128xf32, #tpu.memory_space<vmem_shared>> -> memref<80x128xf32, #tpu.memory_space<vmem_shared>>
      %dma_wait3A_131 = arith.constant 0 : i32
      %dma_wait3A_132 = tpu.memref_slice %arg10[%add3A_63, %dma_wait3A_131] : memref<10000x128xf32, #tpu.memory_space<vmem_shared>> -> memref<80x128xf32, #tpu.memory_space<vmem_shared>>
      %dma_wait3A_133 = arith.constant 0 : i32
      %dma_wait3A_134 = arith.constant 0 : i32
      %dma_wait3A_135 = tpu.memref_slice %arg9[%run_scoped3A_64, %dma_wait3A_133, %dma_wait3A_134] : memref<3x80x128xf32, #tpu.memory_space<vmem>> -> memref<1x80x128xf32, #tpu.memory_space<vmem>>
      %dma_wait3A_136 = tpu.memref_squeeze %dma_wait3A_135 : memref<1x80x128xf32, #tpu.memory_space<vmem>> -> memref<80x128xf32, #tpu.memory_space<vmem>>
      tpu.wait_dma2 semaphore(%run_scoped3A_112 : memref<!tpu.dma_semaphore, #tpu.memory_space<semaphore_mem>>) src(%dma_wait3A_136 : memref<80x128xf32, #tpu.memory_space<vmem>>) dst(%dma_wait3A_132 : memref<80x128xf32, #tpu.memory_space<vmem_shared>>)
      tpu.yield
    }) : () -> ()
    %mul3A_65 = arith.constant 624 : i32
    %mul3A_66 = arith.muli %arg1, %mul3A_65 : i32
    %add3A_67 = arith.constant 400 : i32
    %add3A_68 = arith.addi %mul3A_66, %add3A_67 : i32
    %run_scoped3A_69 = arith.constant 0 : i32
    "tpu.region"() ({
      %run_scoped3A_112 = tpu.sem_alloc : memref<!tpu.dma_semaphore, #tpu.memory_space<semaphore_mem>>
      %dma_start3A_113 = arith.constant 0 : i32
      %dma_start3A_114 = arith.constant 0 : i32
      %dma_start3A_115 = tpu.memref_slice %arg9[%run_scoped3A_69, %dma_start3A_113, %dma_start3A_114] : memref<3x80x128xf32, #tpu.memory_space<vmem>> -> memref<1x80x128xf32, #tpu.memory_space<vmem>>
      %dma_start3A_116 = tpu.memref_squeeze %dma_start3A_115 : memref<1x80x128xf32, #tpu.memory_space<vmem>> -> memref<80x128xf32, #tpu.memory_space<vmem>>
      %dma_start3A_117 = arith.constant 0 : i32
      %dma_start3A_118 = tpu.memref_slice %arg10[%add3A_68, %dma_start3A_117] : memref<10000x128xf32, #tpu.memory_space<vmem_shared>> -> memref<80x128xf32, #tpu.memory_space<vmem_shared>>
      %dma_start3A_119 = arith.constant 0 : i32
      %dma_start3A_120 = tpu.memref_slice %arg10[%add3A_68, %dma_start3A_119] : memref<10000x128xf32, #tpu.memory_space<vmem_shared>> -> memref<80x128xf32, #tpu.memory_space<vmem_shared>>
      %dma_start3A_121 = arith.constant 0 : i32
      %dma_start3A_122 = arith.constant 0 : i32
      %dma_start3A_123 = tpu.memref_slice %arg9[%run_scoped3A_69, %dma_start3A_121, %dma_start3A_122] : memref<3x80x128xf32, #tpu.memory_space<vmem>> -> memref<1x80x128xf32, #tpu.memory_space<vmem>>
      %dma_start3A_124 = tpu.memref_squeeze %dma_start3A_123 : memref<1x80x128xf32, #tpu.memory_space<vmem>> -> memref<80x128xf32, #tpu.memory_space<vmem>>
      tpu.enqueue_dma source(%dma_start3A_124 : memref<80x128xf32, #tpu.memory_space<vmem>>) target(%dma_start3A_120 : memref<80x128xf32, #tpu.memory_space<vmem_shared>>) target_semaphore(%run_scoped3A_112 : memref<!tpu.dma_semaphore, #tpu.memory_space<semaphore_mem>>)
      %dma_wait3A_125 = arith.constant 0 : i32
      %dma_wait3A_126 = arith.constant 0 : i32
      %dma_wait3A_127 = tpu.memref_slice %arg9[%run_scoped3A_69, %dma_wait3A_125, %dma_wait3A_126] : memref<3x80x128xf32, #tpu.memory_space<vmem>> -> memref<1x80x128xf32, #tpu.memory_space<vmem>>
      %dma_wait3A_128 = tpu.memref_squeeze %dma_wait3A_127 : memref<1x80x128xf32, #tpu.memory_space<vmem>> -> memref<80x128xf32, #tpu.memory_space<vmem>>
      %dma_wait3A_129 = arith.constant 0 : i32
      %dma_wait3A_130 = tpu.memref_slice %arg10[%add3A_68, %dma_wait3A_129] : memref<10000x128xf32, #tpu.memory_space<vmem_shared>> -> memref<80x128xf32, #tpu.memory_space<vmem_shared>>
      %dma_wait3A_131 = arith.constant 0 : i32
      %dma_wait3A_132 = tpu.memref_slice %arg10[%add3A_68, %dma_wait3A_131] : memref<10000x128xf32, #tpu.memory_space<vmem_shared>> -> memref<80x128xf32, #tpu.memory_space<vmem_shared>>
      %dma_wait3A_133 = arith.constant 0 : i32
      %dma_wait3A_134 = arith.constant 0 : i32
      %dma_wait3A_135 = tpu.memref_slice %arg9[%run_scoped3A_69, %dma_wait3A_133, %dma_wait3A_134] : memref<3x80x128xf32, #tpu.memory_space<vmem>> -> memref<1x80x128xf32, #tpu.memory_space<vmem>>
      %dma_wait3A_136 = tpu.memref_squeeze %dma_wait3A_135 : memref<1x80x128xf32, #tpu.memory_space<vmem>> -> memref<80x128xf32, #tpu.memory_space<vmem>>
      tpu.wait_dma2 semaphore(%run_scoped3A_112 : memref<!tpu.dma_semaphore, #tpu.memory_space<semaphore_mem>>) src(%dma_wait3A_136 : memref<80x128xf32, #tpu.memory_space<vmem>>) dst(%dma_wait3A_132 : memref<80x128xf32, #tpu.memory_space<vmem_shared>>)
      tpu.yield
    }) : () -> ()
    %mul3A_70 = arith.constant 624 : i32
    %mul3A_71 = arith.muli %arg1, %mul3A_70 : i32
    %add3A_72 = arith.constant 480 : i32
    %add3A_73 = arith.addi %mul3A_71, %add3A_72 : i32
    %run_scoped3A_74 = arith.constant 0 : i32
    "tpu.region"() ({
      %run_scoped3A_112 = tpu.sem_alloc : memref<!tpu.dma_semaphore, #tpu.memory_space<semaphore_mem>>
      %dma_start3A_113 = arith.constant 0 : i32
      %dma_start3A_114 = arith.constant 0 : i32
      %dma_start3A_115 = tpu.memref_slice %arg9[%run_scoped3A_74, %dma_start3A_113, %dma_start3A_114] : memref<3x80x128xf32, #tpu.memory_space<vmem>> -> memref<1x80x128xf32, #tpu.memory_space<vmem>>
      %dma_start3A_116 = tpu.memref_squeeze %dma_start3A_115 : memref<1x80x128xf32, #tpu.memory_space<vmem>> -> memref<80x128xf32, #tpu.memory_space<vmem>>
      %dma_start3A_117 = arith.constant 0 : i32
      %dma_start3A_118 = tpu.memref_slice %arg10[%add3A_73, %dma_start3A_117] : memref<10000x128xf32, #tpu.memory_space<vmem_shared>> -> memref<80x128xf32, #tpu.memory_space<vmem_shared>>
      %dma_start3A_119 = arith.constant 0 : i32
      %dma_start3A_120 = tpu.memref_slice %arg10[%add3A_73, %dma_start3A_119] : memref<10000x128xf32, #tpu.memory_space<vmem_shared>> -> memref<80x128xf32, #tpu.memory_space<vmem_shared>>
      %dma_start3A_121 = arith.constant 0 : i32
      %dma_start3A_122 = arith.constant 0 : i32
      %dma_start3A_123 = tpu.memref_slice %arg9[%run_scoped3A_74, %dma_start3A_121, %dma_start3A_122] : memref<3x80x128xf32, #tpu.memory_space<vmem>> -> memref<1x80x128xf32, #tpu.memory_space<vmem>>
      %dma_start3A_124 = tpu.memref_squeeze %dma_start3A_123 : memref<1x80x128xf32, #tpu.memory_space<vmem>> -> memref<80x128xf32, #tpu.memory_space<vmem>>
      tpu.enqueue_dma source(%dma_start3A_124 : memref<80x128xf32, #tpu.memory_space<vmem>>) target(%dma_start3A_120 : memref<80x128xf32, #tpu.memory_space<vmem_shared>>) target_semaphore(%run_scoped3A_112 : memref<!tpu.dma_semaphore, #tpu.memory_space<semaphore_mem>>)
      %dma_wait3A_125 = arith.constant 0 : i32
      %dma_wait3A_126 = arith.constant 0 : i32
      %dma_wait3A_127 = tpu.memref_slice %arg9[%run_scoped3A_74, %dma_wait3A_125, %dma_wait3A_126] : memref<3x80x128xf32, #tpu.memory_space<vmem>> -> memref<1x80x128xf32, #tpu.memory_space<vmem>>
      %dma_wait3A_128 = tpu.memref_squeeze %dma_wait3A_127 : memref<1x80x128xf32, #tpu.memory_space<vmem>> -> memref<80x128xf32, #tpu.memory_space<vmem>>
      %dma_wait3A_129 = arith.constant 0 : i32
      %dma_wait3A_130 = tpu.memref_slice %arg10[%add3A_73, %dma_wait3A_129] : memref<10000x128xf32, #tpu.memory_space<vmem_shared>> -> memref<80x128xf32, #tpu.memory_space<vmem_shared>>
      %dma_wait3A_131 = arith.constant 0 : i32
      %dma_wait3A_132 = tpu.memref_slice %arg10[%add3A_73, %dma_wait3A_131] : memref<10000x128xf32, #tpu.memory_space<vmem_shared>> -> memref<80x128xf32, #tpu.memory_space<vmem_shared>>
      %dma_wait3A_133 = arith.constant 0 : i32
      %dma_wait3A_134 = arith.constant 0 : i32
      %dma_wait3A_135 = tpu.memref_slice %arg9[%run_scoped3A_74, %dma_wait3A_133, %dma_wait3A_134] : memref<3x80x128xf32, #tpu.memory_space<vmem>> -> memref<1x80x128xf32, #tpu.memory_space<vmem>>
      %dma_wait3A_136 = tpu.memref_squeeze %dma_wait3A_135 : memref<1x80x128xf32, #tpu.memory_space<vmem>> -> memref<80x128xf32, #tpu.memory_space<vmem>>
      tpu.wait_dma2 semaphore(%run_scoped3A_112 : memref<!tpu.dma_semaphore, #tpu.memory_space<semaphore_mem>>) src(%dma_wait3A_136 : memref<80x128xf32, #tpu.memory_space<vmem>>) dst(%dma_wait3A_132 : memref<80x128xf32, #tpu.memory_space<vmem_shared>>)
      tpu.yield
    }) : () -> ()
    %mul3A_75 = arith.constant 624 : i32
    %mul3A_76 = arith.muli %arg1, %mul3A_75 : i32
    %add3A_77 = arith.constant 624 : i32
    %add3A_78 = arith.addi %mul3A_76, %add3A_77 : i32
    %sub3A = arith.constant 64 : i32
    %sub3A_79 = arith.subi %add3A_78, %sub3A : i32
    %run_scoped3A_80 = arith.constant 0 : i32
    "tpu.region"() ({
      %run_scoped3A_112 = tpu.sem_alloc : memref<!tpu.dma_semaphore, #tpu.memory_space<semaphore_mem>>
      %dma_start3A_113 = arith.constant 0 : i32
      %dma_start3A_114 = arith.constant 0 : i32
      %dma_start3A_115 = tpu.memref_slice %arg9[%run_scoped3A_80, %dma_start3A_113, %dma_start3A_114] : memref<3x80x128xf32, #tpu.memory_space<vmem>> -> memref<1x64x128xf32, #tpu.memory_space<vmem>>
      %dma_start3A_116 = tpu.memref_squeeze %dma_start3A_115 : memref<1x64x128xf32, #tpu.memory_space<vmem>> -> memref<64x128xf32, #tpu.memory_space<vmem>>
      %dma_start3A_117 = arith.constant 0 : i32
      %dma_start3A_118 = tpu.memref_slice %arg10[%sub3A_79, %dma_start3A_117] : memref<10000x128xf32, #tpu.memory_space<vmem_shared>> -> memref<64x128xf32, #tpu.memory_space<vmem_shared>>
      %dma_start3A_119 = arith.constant 0 : i32
      %dma_start3A_120 = tpu.memref_slice %arg10[%sub3A_79, %dma_start3A_119] : memref<10000x128xf32, #tpu.memory_space<vmem_shared>> -> memref<64x128xf32, #tpu.memory_space<vmem_shared>>
      %dma_start3A_121 = arith.constant 0 : i32
      %dma_start3A_122 = arith.constant 0 : i32
      %dma_start3A_123 = tpu.memref_slice %arg9[%run_scoped3A_80, %dma_start3A_121, %dma_start3A_122] : memref<3x80x128xf32, #tpu.memory_space<vmem>> -> memref<1x64x128xf32, #tpu.memory_space<vmem>>
      %dma_start3A_124 = tpu.memref_squeeze %dma_start3A_123 : memref<1x64x128xf32, #tpu.memory_space<vmem>> -> memref<64x128xf32, #tpu.memory_space<vmem>>
      tpu.enqueue_dma source(%dma_start3A_124 : memref<64x128xf32, #tpu.memory_space<vmem>>) target(%dma_start3A_120 : memref<64x128xf32, #tpu.memory_space<vmem_shared>>) target_semaphore(%run_scoped3A_112 : memref<!tpu.dma_semaphore, #tpu.memory_space<semaphore_mem>>)
      %dma_wait3A_125 = arith.constant 0 : i32
      %dma_wait3A_126 = arith.constant 0 : i32
      %dma_wait3A_127 = tpu.memref_slice %arg9[%run_scoped3A_80, %dma_wait3A_125, %dma_wait3A_126] : memref<3x80x128xf32, #tpu.memory_space<vmem>> -> memref<1x64x128xf32, #tpu.memory_space<vmem>>
      %dma_wait3A_128 = tpu.memref_squeeze %dma_wait3A_127 : memref<1x64x128xf32, #tpu.memory_space<vmem>> -> memref<64x128xf32, #tpu.memory_space<vmem>>
      %dma_wait3A_129 = arith.constant 0 : i32
      %dma_wait3A_130 = tpu.memref_slice %arg10[%sub3A_79, %dma_wait3A_129] : memref<10000x128xf32, #tpu.memory_space<vmem_shared>> -> memref<64x128xf32, #tpu.memory_space<vmem_shared>>
      %dma_wait3A_131 = arith.constant 0 : i32
      %dma_wait3A_132 = tpu.memref_slice %arg10[%sub3A_79, %dma_wait3A_131] : memref<10000x128xf32, #tpu.memory_space<vmem_shared>> -> memref<64x128xf32, #tpu.memory_space<vmem_shared>>
      %dma_wait3A_133 = arith.constant 0 : i32
      %dma_wait3A_134 = arith.constant 0 : i32
      %dma_wait3A_135 = tpu.memref_slice %arg9[%run_scoped3A_80, %dma_wait3A_133, %dma_wait3A_134] : memref<3x80x128xf32, #tpu.memory_space<vmem>> -> memref<1x64x128xf32, #tpu.memory_space<vmem>>
      %dma_wait3A_136 = tpu.memref_squeeze %dma_wait3A_135 : memref<1x64x128xf32, #tpu.memory_space<vmem>> -> memref<64x128xf32, #tpu.memory_space<vmem>>
      tpu.wait_dma2 semaphore(%run_scoped3A_112 : memref<!tpu.dma_semaphore, #tpu.memory_space<semaphore_mem>>) src(%dma_wait3A_136 : memref<64x128xf32, #tpu.memory_space<vmem>>) dst(%dma_wait3A_132 : memref<64x128xf32, #tpu.memory_space<vmem_shared>>)
      tpu.yield
    }) : () -> ()
    %eq3A = arith.constant 15 : i32
    %eq3A_81 = arith.cmpi eq, %arg1, %eq3A : i32
    %convert_element_type3A = arith.extui %eq3A_81 : i1 to i32
    %cond3A = arith.constant 0 : i32
    %cond3A_82 = arith.cmpi ne, %convert_element_type3A, %cond3A : i32
    scf.if %cond3A_82 {
      %run_scoped3A_112 = arith.constant 0 : i32
      "tpu.region"() ({
        %run_scoped3A_113 = tpu.sem_alloc : memref<!tpu.dma_semaphore, #tpu.memory_space<semaphore_mem>>
        %dma_start3A_114 = arith.constant 0 : i32
        %dma_start3A_115 = arith.constant 0 : i32
        %dma_start3A_116 = tpu.memref_slice %arg9[%run_scoped3A_112, %dma_start3A_114, %dma_start3A_115] : memref<3x80x128xf32, #tpu.memory_space<vmem>> -> memref<1x16x128xf32, #tpu.memory_space<vmem>>
        %dma_start3A_117 = tpu.memref_squeeze %dma_start3A_116 : memref<1x16x128xf32, #tpu.memory_space<vmem>> -> memref<16x128xf32, #tpu.memory_space<vmem>>
        %dma_start3A_118 = arith.constant 9984 : i32
        %dma_start3A_119 = arith.constant 0 : i32
        %dma_start3A_120 = tpu.memref_slice %arg10[%dma_start3A_118, %dma_start3A_119] : memref<10000x128xf32, #tpu.memory_space<vmem_shared>> -> memref<16x128xf32, #tpu.memory_space<vmem_shared>>
        %dma_start3A_121 = arith.constant 9984 : i32
        %dma_start3A_122 = arith.constant 0 : i32
        %dma_start3A_123 = tpu.memref_slice %arg10[%dma_start3A_121, %dma_start3A_122] : memref<10000x128xf32, #tpu.memory_space<vmem_shared>> -> memref<16x128xf32, #tpu.memory_space<vmem_shared>>
        %dma_start3A_124 = arith.constant 0 : i32
        %dma_start3A_125 = arith.constant 0 : i32
        %dma_start3A_126 = tpu.memref_slice %arg9[%run_scoped3A_112, %dma_start3A_124, %dma_start3A_125] : memref<3x80x128xf32, #tpu.memory_space<vmem>> -> memref<1x16x128xf32, #tpu.memory_space<vmem>>
        %dma_start3A_127 = tpu.memref_squeeze %dma_start3A_126 : memref<1x16x128xf32, #tpu.memory_space<vmem>> -> memref<16x128xf32, #tpu.memory_space<vmem>>
        tpu.enqueue_dma source(%dma_start3A_127 : memref<16x128xf32, #tpu.memory_space<vmem>>) target(%dma_start3A_123 : memref<16x128xf32, #tpu.memory_space<vmem_shared>>) target_semaphore(%run_scoped3A_113 : memref<!tpu.dma_semaphore, #tpu.memory_space<semaphore_mem>>)
        %dma_wait3A_128 = arith.constant 0 : i32
        %dma_wait3A_129 = arith.constant 0 : i32
        %dma_wait3A_130 = tpu.memref_slice %arg9[%run_scoped3A_112, %dma_wait3A_128, %dma_wait3A_129] : memref<3x80x128xf32, #tpu.memory_space<vmem>> -> memref<1x16x128xf32, #tpu.memory_space<vmem>>
        %dma_wait3A_131 = tpu.memref_squeeze %dma_wait3A_130 : memref<1x16x128xf32, #tpu.memory_space<vmem>> -> memref<16x128xf32, #tpu.memory_space<vmem>>
        %dma_wait3A_132 = arith.constant 9984 : i32
        %dma_wait3A_133 = arith.constant 0 : i32
        %dma_wait3A_134 = tpu.memref_slice %arg10[%dma_wait3A_132, %dma_wait3A_133] : memref<10000x128xf32, #tpu.memory_space<vmem_shared>> -> memref<16x128xf32, #tpu.memory_space<vmem_shared>>
        %dma_wait3A_135 = arith.constant 9984 : i32
        %dma_wait3A_136 = arith.constant 0 : i32
        %dma_wait3A_137 = tpu.memref_slice %arg10[%dma_wait3A_135, %dma_wait3A_136] : memref<10000x128xf32, #tpu.memory_space<vmem_shared>> -> memref<16x128xf32, #tpu.memory_space<vmem_shared>>
        %dma_wait3A_138 = arith.constant 0 : i32
        %dma_wait3A_139 = arith.constant 0 : i32
        %dma_wait3A_140 = tpu.memref_slice %arg9[%run_scoped3A_112, %dma_wait3A_138, %dma_wait3A_139] : memref<3x80x128xf32, #tpu.memory_space<vmem>> -> memref<1x16x128xf32, #tpu.memory_space<vmem>>
        %dma_wait3A_141 = tpu.memref_squeeze %dma_wait3A_140 : memref<1x16x128xf32, #tpu.memory_space<vmem>> -> memref<16x128xf32, #tpu.memory_space<vmem>>
        tpu.wait_dma2 semaphore(%run_scoped3A_113 : memref<!tpu.dma_semaphore, #tpu.memory_space<semaphore_mem>>) src(%dma_wait3A_141 : memref<16x128xf32, #tpu.memory_space<vmem>>) dst(%dma_wait3A_137 : memref<16x128xf32, #tpu.memory_space<vmem_shared>>)
        tpu.yield
      }) : () -> ()
    } else {
    }
    %barrier3A = arith.constant 0 : index
    tpu.barrier barrier_id(%barrier3A)
    %scan3A_83 = arith.constant 0 : i32
    %scan3A_84 = arith.constant 0 : i32
    %scan3A_85 = arith.constant 125 : i32
    %scan3A_86 = arith.addi %scan3A_84, %scan3A_85 : i32
    %scan3A_87 = arith.constant 1 : i32
    %scan3A_88 = scf.for %scan3A_112 = %scan3A_84 to %scan3A_86 step %scan3A_87 iter_args(%scan3A_113 = %scan3A_83) -> (i32)  : i32 {
      %add3A_114 = arith.constant 1 : i32
      %add3A_115 = arith.addi %scan3A_112, %add3A_114 : i32
      %rem3A_116 = arith.constant 3 : i32
      %rem3A_117 = arith.remsi %add3A_115, %rem3A_116 : i32
      %rem3A_118 = arith.constant 3 : i32
      %rem3A_119 = arith.remsi %scan3A_112, %rem3A_118 : i32
      %ge3A = arith.constant 1 : i32
      %ge3A_120 = arith.cmpi sge, %scan3A_112, %ge3A : i32
      %convert_element_type3A_121 = arith.extui %ge3A_120 : i1 to i32
      %cond3A_122 = arith.constant 0 : i32
      %cond3A_123 = arith.cmpi ne, %convert_element_type3A_121, %cond3A_122 : i32
      scf.if %cond3A_123 {
        %sub3A_155 = arith.constant 1 : i32
        %sub3A_156 = arith.subi %scan3A_112, %sub3A_155 : i32
        %mul3A_157 = arith.constant 80 : i32
        %mul3A_158 = arith.muli %sub3A_156, %mul3A_157 : i32
        %dma_wait3A_159 = arith.constant 0 : i32
        %dma_wait3A_160 = arith.constant 0 : i32
        %dma_wait3A_161 = tpu.memref_slice %arg9[%rem3A_119, %dma_wait3A_159, %dma_wait3A_160] : memref<3x80x128xf32, #tpu.memory_space<vmem>> -> memref<1x80x128xf32, #tpu.memory_space<vmem>>
        %dma_wait3A_162 = tpu.memref_squeeze %dma_wait3A_161 : memref<1x80x128xf32, #tpu.memory_space<vmem>> -> memref<80x128xf32, #tpu.memory_space<vmem>>
        %dma_wait3A_163 = tpu.memref_slice %arg8[%mul3A_158] : memref<10000xi32, #tpu.memory_space<vmem>> -> memref<80xi32, #tpu.memory_space<vmem>>
        %dma_wait3A_164 = arith.constant 0 : i32
        %dma_wait3A_165 = arith.constant 0 : i32
        %dma_wait3A_166 = tpu.memref_slice %arg10[%dma_wait3A_164, %dma_wait3A_165] : memref<10000x128xf32, #tpu.memory_space<vmem_shared>> -> memref<10000x128xf32, #tpu.memory_space<vmem_shared>>
        %dma_wait3A_167 = tpu.memref_slice %arg12[%rem3A_119] : memref<3x!tpu.dma_semaphore, #tpu.memory_space<semaphore_mem>> -> memref<1x!tpu.dma_semaphore, #tpu.memory_space<semaphore_mem>>
        %dma_wait3A_168 = tpu.memref_squeeze %dma_wait3A_167 : memref<1x!tpu.dma_semaphore, #tpu.memory_space<semaphore_mem>> -> memref<!tpu.dma_semaphore, #tpu.memory_space<semaphore_mem>>
        tpu.wait_indirect_dma semaphore(%dma_wait3A_168 : memref<!tpu.dma_semaphore, #tpu.memory_space<semaphore_mem>>) src(%dma_wait3A_162 : memref<80x128xf32, #tpu.memory_space<vmem>>) dst(%dma_wait3A_166 : memref<10000x128xf32, #tpu.memory_space<vmem_shared>>)
      } else {
      }
      %add3A_124 = arith.constant 2 : i32
      %add3A_125 = arith.addi %scan3A_112, %add3A_124 : i32
      %lt3A = arith.constant 125 : i32
      %lt3A_126 = arith.cmpi slt, %add3A_125, %lt3A : i32
      %convert_element_type3A_127 = arith.extui %lt3A_126 : i1 to i32
      %cond3A_128 = arith.constant 0 : i32
      %cond3A_129 = arith.cmpi ne, %convert_element_type3A_127, %cond3A_128 : i32
      scf.if %cond3A_129 {
        %add3A_155 = arith.constant 2 : i32
        %add3A_156 = arith.addi %scan3A_112, %add3A_155 : i32
        %mul3A_157 = arith.constant 80 : i32
        %mul3A_158 = arith.muli %add3A_156, %mul3A_157 : i32
        %dma_start3A_159 = arith.constant 0 : i32
        %dma_start3A_160 = arith.constant 0 : i32
        %dma_start3A_161 = tpu.memref_slice %arg9[%rem3A_119, %dma_start3A_159, %dma_start3A_160] : memref<3x80x128xf32, #tpu.memory_space<vmem>> -> memref<1x80x128xf32, #tpu.memory_space<vmem>>
        %dma_start3A_162 = tpu.memref_squeeze %dma_start3A_161 : memref<1x80x128xf32, #tpu.memory_space<vmem>> -> memref<80x128xf32, #tpu.memory_space<vmem>>
        %dma_start3A_163 = tpu.memref_slice %arg7[%mul3A_158] : memref<10000xi32, #tpu.memory_space<vmem>> -> memref<80xi32, #tpu.memory_space<vmem>>
        %dma_start3A_164 = arith.constant 0 : i32
        %dma_start3A_165 = arith.constant 0 : i32
        %dma_start3A_166 = tpu.memref_slice %arg2[%dma_start3A_164, %dma_start3A_165] : memref<80000x128xf32, #tpu.memory_space<hbm>> -> memref<80000x128xf32, #tpu.memory_space<hbm>>
        %dma_start3A_167 = tpu.memref_slice %arg11[%rem3A_119] : memref<3x!tpu.dma_semaphore, #tpu.memory_space<semaphore_mem>> -> memref<1x!tpu.dma_semaphore, #tpu.memory_space<semaphore_mem>>
        %dma_start3A_168 = tpu.memref_squeeze %dma_start3A_167 : memref<1x!tpu.dma_semaphore, #tpu.memory_space<semaphore_mem>> -> memref<!tpu.dma_semaphore, #tpu.memory_space<semaphore_mem>>
        tpu.enqueue_indirect_dma source(%dma_start3A_166 : memref<80000x128xf32, #tpu.memory_space<hbm>>) target(%dma_start3A_162 : memref<80x128xf32, #tpu.memory_space<vmem>>) offsets(%dma_start3A_163 : memref<80xi32, #tpu.memory_space<vmem>>) semaphore(%dma_start3A_168 : memref<!tpu.dma_semaphore, #tpu.memory_space<semaphore_mem>>)
      } else {
      }
      %mul3A_130 = arith.constant 80 : i32
      %mul3A_131 = arith.muli %scan3A_112, %mul3A_130 : i32
      %dma_wait3A_132 = arith.constant 0 : i32
      %dma_wait3A_133 = arith.constant 0 : i32
      %dma_wait3A_134 = tpu.memref_slice %arg9[%rem3A_117, %dma_wait3A_132, %dma_wait3A_133] : memref<3x80x128xf32, #tpu.memory_space<vmem>> -> memref<1x80x128xf32, #tpu.memory_space<vmem>>
      %dma_wait3A_135 = tpu.memref_squeeze %dma_wait3A_134 : memref<1x80x128xf32, #tpu.memory_space<vmem>> -> memref<80x128xf32, #tpu.memory_space<vmem>>
      %dma_wait3A_136 = tpu.memref_slice %arg7[%mul3A_131] : memref<10000xi32, #tpu.memory_space<vmem>> -> memref<80xi32, #tpu.memory_space<vmem>>
      %dma_wait3A_137 = arith.constant 0 : i32
      %dma_wait3A_138 = arith.constant 0 : i32
      %dma_wait3A_139 = tpu.memref_slice %arg2[%dma_wait3A_137, %dma_wait3A_138] : memref<80000x128xf32, #tpu.memory_space<hbm>> -> memref<80000x128xf32, #tpu.memory_space<hbm>>
      %dma_wait3A_140 = tpu.memref_slice %arg11[%rem3A_117] : memref<3x!tpu.dma_semaphore, #tpu.memory_space<semaphore_mem>> -> memref<1x!tpu.dma_semaphore, #tpu.memory_space<semaphore_mem>>
      %dma_wait3A_141 = tpu.memref_squeeze %dma_wait3A_140 : memref<1x!tpu.dma_semaphore, #tpu.memory_space<semaphore_mem>> -> memref<!tpu.dma_semaphore, #tpu.memory_space<semaphore_mem>>
      tpu.wait_indirect_dma semaphore(%dma_wait3A_141 : memref<!tpu.dma_semaphore, #tpu.memory_space<semaphore_mem>>) src(%dma_wait3A_139 : memref<80000x128xf32, #tpu.memory_space<hbm>>) dst(%dma_wait3A_135 : memref<80x128xf32, #tpu.memory_space<vmem>>)
      %mul3A_142 = arith.constant 80 : i32
      %mul3A_143 = arith.muli %scan3A_112, %mul3A_142 : i32
      %dma_start3A_144 = arith.constant 0 : i32
      %dma_start3A_145 = arith.constant 0 : i32
      %dma_start3A_146 = tpu.memref_slice %arg9[%rem3A_117, %dma_start3A_144, %dma_start3A_145] : memref<3x80x128xf32, #tpu.memory_space<vmem>> -> memref<1x80x128xf32, #tpu.memory_space<vmem>>
      %dma_start3A_147 = tpu.memref_squeeze %dma_start3A_146 : memref<1x80x128xf32, #tpu.memory_space<vmem>> -> memref<80x128xf32, #tpu.memory_space<vmem>>
      %dma_start3A_148 = tpu.memref_slice %arg8[%mul3A_143] : memref<10000xi32, #tpu.memory_space<vmem>> -> memref<80xi32, #tpu.memory_space<vmem>>
      %dma_start3A_149 = arith.constant 0 : i32
      %dma_start3A_150 = arith.constant 0 : i32
      %dma_start3A_151 = tpu.memref_slice %arg10[%dma_start3A_149, %dma_start3A_150] : memref<10000x128xf32, #tpu.memory_space<vmem_shared>> -> memref<10000x128xf32, #tpu.memory_space<vmem_shared>>
      %dma_start3A_152 = tpu.memref_slice %arg12[%rem3A_117] : memref<3x!tpu.dma_semaphore, #tpu.memory_space<semaphore_mem>> -> memref<1x!tpu.dma_semaphore, #tpu.memory_space<semaphore_mem>>
      %dma_start3A_153 = tpu.memref_squeeze %dma_start3A_152 : memref<1x!tpu.dma_semaphore, #tpu.memory_space<semaphore_mem>> -> memref<!tpu.dma_semaphore, #tpu.memory_space<semaphore_mem>>
      tpu.enqueue_indirect_dma source(%dma_start3A_147 : memref<80x128xf32, #tpu.memory_space<vmem>>) target(%dma_start3A_151 : memref<10000x128xf32, #tpu.memory_space<vmem_shared>>) offsets(%dma_start3A_148 : memref<80xi32, #tpu.memory_space<vmem>>) semaphore(%dma_start3A_153 : memref<!tpu.dma_semaphore, #tpu.memory_space<semaphore_mem>>) {add = true}
      %scan3A_154 = arith.constant 0 : i32
      scf.yield %scan3A_154 : i32
    }
    %scan3A_89 = arith.constant 125 : i32
    %rem3A = arith.constant 125 : i32
    %rem3A_90 = arith.constant 3 : i32
    %rem3A_91 = arith.remsi %rem3A, %rem3A_90 : i32
    %dma_wait3A = arith.constant 0 : i32
    %dma_wait3A_92 = arith.constant 0 : i32
    %dma_wait3A_93 = tpu.memref_slice %arg9[%rem3A_91, %dma_wait3A, %dma_wait3A_92] : memref<3x80x128xf32, #tpu.memory_space<vmem>> -> memref<1x80x128xf32, #tpu.memory_space<vmem>>
    %dma_wait3A_94 = tpu.memref_squeeze %dma_wait3A_93 : memref<1x80x128xf32, #tpu.memory_space<vmem>> -> memref<80x128xf32, #tpu.memory_space<vmem>>
    %dma_wait3A_95 = arith.constant 9920 : i32
    %dma_wait3A_96 = tpu.memref_slice %arg8[%dma_wait3A_95] : memref<10000xi32, #tpu.memory_space<vmem>> -> memref<80xi32, #tpu.memory_space<vmem>>
    %dma_wait3A_97 = arith.constant 0 : i32
    %dma_wait3A_98 = arith.constant 0 : i32
    %dma_wait3A_99 = tpu.memref_slice %arg10[%dma_wait3A_97, %dma_wait3A_98] : memref<10000x128xf32, #tpu.memory_space<vmem_shared>> -> memref<10000x128xf32, #tpu.memory_space<vmem_shared>>
    %dma_wait3A_100 = tpu.memref_slice %arg12[%rem3A_91] : memref<3x!tpu.dma_semaphore, #tpu.memory_space<semaphore_mem>> -> memref<1x!tpu.dma_semaphore, #tpu.memory_space<semaphore_mem>>
    %dma_wait3A_101 = tpu.memref_squeeze %dma_wait3A_100 : memref<1x!tpu.dma_semaphore, #tpu.memory_space<semaphore_mem>> -> memref<!tpu.dma_semaphore, #tpu.memory_space<semaphore_mem>>
    tpu.wait_indirect_dma semaphore(%dma_wait3A_101 : memref<!tpu.dma_semaphore, #tpu.memory_space<semaphore_mem>>) src(%dma_wait3A_94 : memref<80x128xf32, #tpu.memory_space<vmem>>) dst(%dma_wait3A_99 : memref<10000x128xf32, #tpu.memory_space<vmem_shared>>)
    %barrier3A_102 = arith.constant 0 : index
    tpu.barrier barrier_id(%barrier3A_102)
    %mul3A_103 = arith.constant 624 : i32
    %mul3A_104 = arith.muli %arg1, %mul3A_103 : i32
    %mul3A_105 = arith.constant 624 : i32
    %mul3A_106 = arith.muli %arg1, %mul3A_105 : i32
    "tpu.region"() ({
      %run_scoped3A_112 = tpu.sem_alloc : memref<!tpu.dma_semaphore, #tpu.memory_space<semaphore_mem>>
      %dma_start3A_113 = arith.constant 0 : i32
      %dma_start3A_114 = tpu.memref_slice %arg6[%arg0, %mul3A_106, %dma_start3A_113] : memref<2x10000x128xf32, #tpu.memory_space<hbm>> -> memref<1x624x128xf32, #tpu.memory_space<hbm>>
      %dma_start3A_115 = tpu.memref_squeeze %dma_start3A_114 : memref<1x624x128xf32, #tpu.memory_space<hbm>> -> memref<624x128xf32, #tpu.memory_space<hbm>>
      %dma_start3A_116 = arith.constant 0 : i32
      %dma_start3A_117 = tpu.memref_slice %arg10[%mul3A_104, %dma_start3A_116] : memref<10000x128xf32, #tpu.memory_space<vmem_shared>> -> memref<624x128xf32, #tpu.memory_space<vmem_shared>>
      tpu.enqueue_dma source(%dma_start3A_117 : memref<624x128xf32, #tpu.memory_space<vmem_shared>>) target(%dma_start3A_115 : memref<624x128xf32, #tpu.memory_space<hbm>>) target_semaphore(%run_scoped3A_112 : memref<!tpu.dma_semaphore, #tpu.memory_space<semaphore_mem>>)
      %dma_wait3A_118 = arith.constant 0 : i32
      %dma_wait3A_119 = tpu.memref_slice %arg6[%arg0, %mul3A_106, %dma_wait3A_118] : memref<2x10000x128xf32, #tpu.memory_space<hbm>> -> memref<1x624x128xf32, #tpu.memory_space<hbm>>
      %dma_wait3A_120 = tpu.memref_squeeze %dma_wait3A_119 : memref<1x624x128xf32, #tpu.memory_space<hbm>> -> memref<624x128xf32, #tpu.memory_space<hbm>>
      %dma_wait3A_121 = arith.constant 0 : i32
      %dma_wait3A_122 = tpu.memref_slice %arg10[%mul3A_104, %dma_wait3A_121] : memref<10000x128xf32, #tpu.memory_space<vmem_shared>> -> memref<624x128xf32, #tpu.memory_space<vmem_shared>>
      tpu.wait_dma2 semaphore(%run_scoped3A_112 : memref<!tpu.dma_semaphore, #tpu.memory_space<semaphore_mem>>) src(%dma_wait3A_122 : memref<624x128xf32, #tpu.memory_space<vmem_shared>>) dst(%dma_wait3A_120 : memref<624x128xf32, #tpu.memory_space<hbm>>)
      tpu.yield
    }) : () -> ()
    %eq3A_107 = arith.constant 15 : i32
    %eq3A_108 = arith.cmpi eq, %arg1, %eq3A_107 : i32
    %convert_element_type3A_109 = arith.extui %eq3A_108 : i1 to i32
    %cond3A_110 = arith.constant 0 : i32
    %cond3A_111 = arith.cmpi ne, %convert_element_type3A_109, %cond3A_110 : i32
    scf.if %cond3A_111 {
      "tpu.region"() ({
        %run_scoped3A_112 = tpu.sem_alloc : memref<!tpu.dma_semaphore, #tpu.memory_space<semaphore_mem>>
        %dma_start3A_113 = arith.constant 9984 : i32
        %dma_start3A_114 = arith.constant 0 : i32
        %dma_start3A_115 = tpu.memref_slice %arg6[%arg0, %dma_start3A_113, %dma_start3A_114] : memref<2x10000x128xf32, #tpu.memory_space<hbm>> -> memref<1x16x128xf32, #tpu.memory_space<hbm>>
        %dma_start3A_116 = tpu.memref_squeeze %dma_start3A_115 : memref<1x16x128xf32, #tpu.memory_space<hbm>> -> memref<16x128xf32, #tpu.memory_space<hbm>>
        %dma_start3A_117 = arith.constant 9984 : i32
        %dma_start3A_118 = arith.constant 0 : i32
        %dma_start3A_119 = tpu.memref_slice %arg10[%dma_start3A_117, %dma_start3A_118] : memref<10000x128xf32, #tpu.memory_space<vmem_shared>> -> memref<16x128xf32, #tpu.memory_space<vmem_shared>>
        tpu.enqueue_dma source(%dma_start3A_119 : memref<16x128xf32, #tpu.memory_space<vmem_shared>>) target(%dma_start3A_116 : memref<16x128xf32, #tpu.memory_space<hbm>>) target_semaphore(%run_scoped3A_112 : memref<!tpu.dma_semaphore, #tpu.memory_space<semaphore_mem>>)
        %dma_wait3A_120 = arith.constant 9984 : i32
        %dma_wait3A_121 = arith.constant 0 : i32
        %dma_wait3A_122 = tpu.memref_slice %arg6[%arg0, %dma_wait3A_120, %dma_wait3A_121] : memref<2x10000x128xf32, #tpu.memory_space<hbm>> -> memref<1x16x128xf32, #tpu.memory_space<hbm>>
        %dma_wait3A_123 = tpu.memref_squeeze %dma_wait3A_122 : memref<1x16x128xf32, #tpu.memory_space<hbm>> -> memref<16x128xf32, #tpu.memory_space<hbm>>
        %dma_wait3A_124 = arith.constant 9984 : i32
        %dma_wait3A_125 = arith.constant 0 : i32
        %dma_wait3A_126 = tpu.memref_slice %arg10[%dma_wait3A_124, %dma_wait3A_125] : memref<10000x128xf32, #tpu.memory_space<vmem_shared>> -> memref<16x128xf32, #tpu.memory_space<vmem_shared>>
        tpu.wait_dma2 semaphore(%run_scoped3A_112 : memref<!tpu.dma_semaphore, #tpu.memory_space<semaphore_mem>>) src(%dma_wait3A_126 : memref<16x128xf32, #tpu.memory_space<vmem_shared>>) dst(%dma_wait3A_123 : memref<16x128xf32, #tpu.memory_space<hbm>>)
        tpu.yield
      }) : () -> ()
    } else {
    }
    return
  }
}

module attributes {stable_mosaic.version = 14 : i64} {
  func.func @_final_body(%arg0: i32, %arg1: memref<2x10000x128xf32, #tpu.memory_space<vmem>>, %arg2: memref<10000x128xf32, #tpu.memory_space<vmem>>, %arg3: memref<128x128xf32, #tpu.memory_space<vmem>>, %arg4: memref<1x128xf32, #tpu.memory_space<vmem>>, %arg5: memref<10000x128xf32, #tpu.memory_space<vmem>>) attributes {dimension_semantics = [#tpu.dimension_semantics<arbitrary>], iteration_bounds = array<i64: 1>, scalar_prefetch = 0 : i64, scratch_operands = 0 : i64, tpu.core_type = #tpu.core_type<tc>, window_params = [{transform_indices = @transform_0, window_bounds = array<i64: 2, 10000, 128>}, {transform_indices = @transform_1, window_bounds = array<i64: 10000, 128>}, {pipeline_mode = #tpu.pipeline_mode<synchronous>, transform_indices = @transform_2, window_bounds = array<i64: 128, 128>}, {pipeline_mode = #tpu.pipeline_mode<synchronous>, transform_indices = @transform_3, window_bounds = array<i64: 1, 128>}, {transform_indices = @transform_4, window_bounds = array<i64: 10000, 128>}]} {
    %get3A = arith.constant 0 : index
    %get3A_0 = arith.constant 0 : index
    %get3A_1 = vector.load %arg2[%get3A, %get3A_0] : memref<10000x128xf32, #tpu.memory_space<vmem>>, vector<10000x128xf32>
    %get3A_2 = arith.constant 0 : index
    %get3A_3 = arith.constant 0 : index
    %get3A_4 = vector.load %arg3[%get3A_2, %get3A_3] : memref<128x128xf32, #tpu.memory_space<vmem>>, vector<128x128xf32>
    %dot_general3A = arith.constant dense<0.000000e+00> : vector<10000x128xf32>
    %dot_general3A_5 = tpu.matmul %get3A_1, %get3A_4, %dot_general3A {dimension_numbers = #tpu.dot_dimension_numbers<[1], [0], [0], [1], [0, 0, 1, 1], [], []>, transpose_lhs_hint = false} : vector<10000x128xf32>, vector<128x128xf32>, vector<10000x128xf32> -> vector<10000x128xf32>
    %get3A_6 = arith.constant 0 : index
    %get3A_7 = arith.constant 0 : index
    %get3A_8 = arith.constant 0 : index
    %get3A_9 = vector.load %arg1[%get3A_6, %get3A_7, %get3A_8] : memref<2x10000x128xf32, #tpu.memory_space<vmem>>, vector<1x10000x128xf32>
    %get3A_10 = vector.shape_cast %get3A_9 : vector<1x10000x128xf32> to vector<10000x128xf32>
    %add3A = arith.addf %dot_general3A_5, %get3A_10 : vector<10000x128xf32>
    %get3A_11 = arith.constant 1 : index
    %get3A_12 = arith.constant 0 : index
    %get3A_13 = arith.constant 0 : index
    %get3A_14 = vector.load %arg1[%get3A_11, %get3A_12, %get3A_13] : memref<2x10000x128xf32, #tpu.memory_space<vmem>>, vector<1x10000x128xf32>
    %get3A_15 = vector.shape_cast %get3A_14 : vector<1x10000x128xf32> to vector<10000x128xf32>
    %add3A_16 = arith.addf %add3A, %get3A_15 : vector<10000x128xf32>
    %get3A_17 = arith.constant 0 : index
    %get3A_18 = arith.constant 0 : index
    %get3A_19 = vector.load %arg4[%get3A_17, %get3A_18] : memref<1x128xf32, #tpu.memory_space<vmem>>, vector<1x128xf32>
    %get3A_20 = vector.shape_cast %get3A_19 : vector<1x128xf32> to vector<128xf32>
    %broadcast_in_dim3A = vector.shape_cast %get3A_20 : vector<128xf32> to vector<1x128xf32>
    %add3A_21 = vector.broadcast %broadcast_in_dim3A : vector<1x128xf32> to vector<10000x128xf32>
    %add3A_22 = arith.addf %add3A_16, %add3A_21 : vector<10000x128xf32>
    %swap3A = arith.constant 0 : index
    %swap3A_23 = arith.constant 0 : index
    %swap3A_24 = vector.load %arg5[%swap3A, %swap3A_23] : memref<10000x128xf32, #tpu.memory_space<vmem>>, vector<10000x128xf32>
    tpu.vector_store %arg5[%swap3A, %swap3A_23], %add3A_22 {strides = array<i32>} : memref<10000x128xf32, #tpu.memory_space<vmem>>, vector<10000x128xf32>,
    return
  }
  func.func @transform_0(%arg0: i32) -> (i32, i32, i32) {
    %c0_i32 = arith.constant 0 : i32
    %c0_i32_0 = arith.constant 0 : i32
    %c0_i32_1 = arith.constant 0 : i32
    return %c0_i32, %arg0, %c0_i32_0 : i32, i32, i32
  }
  func.func @transform_1(%arg0: i32) -> (i32, i32) {
    %c0_i32 = arith.constant 0 : i32
    %c0_i32_0 = arith.constant 0 : i32
    return %arg0, %c0_i32 : i32, i32
  }
  func.func @transform_2(%arg0: i32) -> (i32, i32) {
    %c0_i32 = arith.constant 0 : i32
    %c0_i32_0 = arith.constant 0 : i32
    %c0_i32_1 = arith.constant 0 : i32
    return %c0_i32, %c0_i32_0 : i32, i32
  }
  func.func @transform_3(%arg0: i32) -> (i32, i32) {
    %c0_i32 = arith.constant 0 : i32
    %c0_i32_0 = arith.constant 0 : i32
    %c0_i32_1 = arith.constant 0 : i32
    return %c0_i32, %c0_i32_0 : i32, i32
  }
  func.func @transform_4(%arg0: i32) -> (i32, i32) {
    %c0_i32 = arith.constant 0 : i32
    %c0_i32_0 = arith.constant 0 : i32
    return %arg0, %c0_i32 : i32, i32
  }
}

module attributes {stable_mosaic.version = 14 : i64} {
  func.func @_relmm_body(%arg0: i32, %arg1: i32, %arg2: memref<10000x128xf32, #tpu.memory_space<vmem>>, %arg3: memref<8x4xf32, #tpu.memory_space<smem>>, %arg4: memref<4x128x128xf32, #tpu.memory_space<vmem>>, %arg5: memref<10000x128xf32, #tpu.memory_space<vmem>>) attributes {dimension_semantics = [#tpu.dimension_semantics<arbitrary>, #tpu.dimension_semantics<arbitrary>], iteration_bounds = array<i64: 1, 8>, scalar_prefetch = 0 : i64, scratch_operands = 0 : i64, tpu.core_type = #tpu.core_type<tc>, window_params = [{transform_indices = @transform_0, window_bounds = array<i64: 10000, 128>}, {transform_indices = @transform_1, window_bounds = array<i64: 8, 4>}, {pipeline_mode = #tpu.pipeline_mode<synchronous>, transform_indices = @transform_2, window_bounds = array<i64: 4, 128, 128>}, {transform_indices = @transform_3, window_bounds = array<i64: 10000, 128>}]} {
    %get3A = arith.index_cast %arg1 : i32 to index
    %get3A_0 = arith.constant 0 : index
    %get3A_1 = memref.load %arg3[%get3A, %get3A_0] : memref<8x4xf32, #tpu.memory_space<smem>>
    %get3A_2 = arith.constant 0 : index
    %get3A_3 = arith.constant 0 : index
    %get3A_4 = arith.constant 0 : index
    %get3A_5 = vector.load %arg4[%get3A_2, %get3A_3, %get3A_4] : memref<4x128x128xf32, #tpu.memory_space<vmem>>, vector<1x128x128xf32>
    %get3A_6 = vector.shape_cast %get3A_5 : vector<1x128x128xf32> to vector<128x128xf32>
    %mul3A = vector.broadcast %get3A_1 : f32 to vector<128x128xf32>
    %mul3A_7 = arith.mulf %mul3A, %get3A_6 : vector<128x128xf32>
    %get3A_8 = arith.index_cast %arg1 : i32 to index
    %get3A_9 = arith.constant 1 : index
    %get3A_10 = memref.load %arg3[%get3A_8, %get3A_9] : memref<8x4xf32, #tpu.memory_space<smem>>
    %get3A_11 = arith.constant 1 : index
    %get3A_12 = arith.constant 0 : index
    %get3A_13 = arith.constant 0 : index
    %get3A_14 = vector.load %arg4[%get3A_11, %get3A_12, %get3A_13] : memref<4x128x128xf32, #tpu.memory_space<vmem>>, vector<1x128x128xf32>
    %get3A_15 = vector.shape_cast %get3A_14 : vector<1x128x128xf32> to vector<128x128xf32>
    %mul3A_16 = vector.broadcast %get3A_10 : f32 to vector<128x128xf32>
    %mul3A_17 = arith.mulf %mul3A_16, %get3A_15 : vector<128x128xf32>
    %add3A = arith.addf %mul3A_7, %mul3A_17 : vector<128x128xf32>
    %get3A_18 = arith.index_cast %arg1 : i32 to index
    %get3A_19 = arith.constant 2 : index
    %get3A_20 = memref.load %arg3[%get3A_18, %get3A_19] : memref<8x4xf32, #tpu.memory_space<smem>>
    %get3A_21 = arith.constant 2 : index
    %get3A_22 = arith.constant 0 : index
    %get3A_23 = arith.constant 0 : index
    %get3A_24 = vector.load %arg4[%get3A_21, %get3A_22, %get3A_23] : memref<4x128x128xf32, #tpu.memory_space<vmem>>, vector<1x128x128xf32>
    %get3A_25 = vector.shape_cast %get3A_24 : vector<1x128x128xf32> to vector<128x128xf32>
    %mul3A_26 = vector.broadcast %get3A_20 : f32 to vector<128x128xf32>
    %mul3A_27 = arith.mulf %mul3A_26, %get3A_25 : vector<128x128xf32>
    %add3A_28 = arith.addf %add3A, %mul3A_27 : vector<128x128xf32>
    %get3A_29 = arith.index_cast %arg1 : i32 to index
    %get3A_30 = arith.constant 3 : index
    %get3A_31 = memref.load %arg3[%get3A_29, %get3A_30] : memref<8x4xf32, #tpu.memory_space<smem>>
    %get3A_32 = arith.constant 3 : index
    %get3A_33 = arith.constant 0 : index
    %get3A_34 = arith.constant 0 : index
    %get3A_35 = vector.load %arg4[%get3A_32, %get3A_33, %get3A_34] : memref<4x128x128xf32, #tpu.memory_space<vmem>>, vector<1x128x128xf32>
    %get3A_36 = vector.shape_cast %get3A_35 : vector<1x128x128xf32> to vector<128x128xf32>
    %mul3A_37 = vector.broadcast %get3A_31 : f32 to vector<128x128xf32>
    %mul3A_38 = arith.mulf %mul3A_37, %get3A_36 : vector<128x128xf32>
    %add3A_39 = arith.addf %add3A_28, %mul3A_38 : vector<128x128xf32>
    %get3A_40 = arith.constant 0 : index
    %get3A_41 = arith.constant 0 : index
    %get3A_42 = vector.load %arg2[%get3A_40, %get3A_41] : memref<10000x128xf32, #tpu.memory_space<vmem>>, vector<10000x128xf32>
    %dot_general3A = arith.constant dense<0.000000e+00> : vector<10000x128xf32>
    %dot_general3A_43 = tpu.matmul %get3A_42, %add3A_39, %dot_general3A {dimension_numbers = #tpu.dot_dimension_numbers<[1], [0], [0], [1], [0, 0, 1, 1], [], []>, transpose_lhs_hint = false} : vector<10000x128xf32>, vector<128x128xf32>, vector<10000x128xf32> -> vector<10000x128xf32>
    %swap3A = arith.constant 0 : index
    %swap3A_44 = arith.constant 0 : index
    %swap3A_45 = vector.load %arg5[%swap3A, %swap3A_44] : memref<10000x128xf32, #tpu.memory_space<vmem>>, vector<10000x128xf32>
    tpu.vector_store %arg5[%swap3A, %swap3A_44], %dot_general3A_43 {strides = array<i32>} : memref<10000x128xf32, #tpu.memory_space<vmem>>, vector<10000x128xf32>,
    return
  }
  func.func @transform_0(%arg0: i32, %arg1: i32) -> (i32, i32) {
    %c0_i32 = arith.constant 0 : i32
    %c0_i32_0 = arith.constant 0 : i32
    return %arg0, %c0_i32 : i32, i32
  }
  func.func @transform_1(%arg0: i32, %arg1: i32) -> (i32, i32) {
    %c0_i32 = arith.constant 0 : i32
    %c0_i32_0 = arith.constant 0 : i32
    %c0_i32_1 = arith.constant 0 : i32
    return %c0_i32, %c0_i32_0 : i32, i32
  }
  func.func @transform_2(%arg0: i32, %arg1: i32) -> (i32, i32, i32) {
    %c0_i32 = arith.constant 0 : i32
    %c0_i32_0 = arith.constant 0 : i32
    %c0_i32_1 = arith.constant 0 : i32
    %c0_i32_2 = arith.constant 0 : i32
    return %c0_i32, %c0_i32_0, %c0_i32_1 : i32, i32, i32
  }
  func.func @transform_3(%arg0: i32, %arg1: i32) -> (i32, i32) {
    %mul3A = arith.constant 1 : i32
    %mul3A_0 = arith.muli %arg1, %mul3A : i32
    %add3A = arith.addi %mul3A_0, %arg0 : i32
    %c0_i32 = arith.constant 0 : i32
    %c0_i32_1 = arith.constant 0 : i32
    return %add3A, %c0_i32 : i32, i32
  }
}

</mosaic_0001>

<sc_bundles>
// kernel: kernel.5.cloned.1.call-start
scs
__scs_entry_jumppad:
0x0: {  	(pc) =	sbr.rel $0x88, $3  }
0x1: {  	(tag) =	ssettag $0x0;
	lr =	simm.s32 $0x1  }
0x2: {  	[smem:$0x3F9A] =	sst lr;
	_ =	strace $0xD0000000  }
0x3: {  	_ = 	snop  }
0x4: {  	_ = 	snop  }
0x5: {  	_ = 	snop  }
0x6: {  	_ = 	snop  }
0x7: {  	_ = 	snop  }
__scs_overlays_trampoline_lowered:
0x8: {  	[smem:$0x3FA9] =	sst s0  }
0x9: {  	[smem:$0x3FAA] =	sst s1  }
0xa: {  	[smem:$0x3FAB] =	sst s2  }
0xb: {  	[smem:$0x3FAC] =	sst s3  }
0xc: {  	[smem:$0x3FAD] =	sst s4  }
0xd: {  	[smem:$0x3FAE] =	sst s5  }
0xe: {  	[smem:$0x3FAF] =	sst s6  }
0xf: {  	[smem:$0x3FB0] =	sst s7  }
0x10: {  	[smem:$0x3FB1] =	sst s8  }
0x11: {  	[smem:$0x3FB2] =	sst s9;
	s0 =	simm.s32 @!p0 $0x0  }
0x12: {  	s1 =	sld [smem:$0x3F98];
	s0 =	simm.s32 @p0 $0x1  }
0x13: {  	[smem:$0x3FB3] =	sst s0;
	s0 =	simm.s32 @!p1 $0x0  }
0x14: {  	s2 =	sld [smem:$0x3F97];
	s0 =	simm.s32 @p1 $0x1  }
0x15: {  	[smem:$0x3FB4] =	sst s0;
	s0 =	simm.s32 @!p2 $0x0  }
0x16: {  	s3 =	sld [smem:$0x3FDB];
	s0 =	simm.s32 @p2 $0x1  }
0x17: {  	s4 =	simm.s32 $0x1BF5;
	[smem:$0x3FB6] =	sst s0  }
0x18: {  	s0 =	sld [smem:$0x3F99];
	_ =	swait.ge [sflag:s4], $0x0  }
0x19: {  	s7 =	sld [smem:$0x3F9A]  }
0x1a: {  	s8 =	sadd.s32 $0xFFFFE003, lr  }
0x1b: {  	s9 =	sadd.s32 $0xFFFFFEF7, lr;
	s5 =	simm.s32 $0xFFFFFFFF;
	p2 =	slt.u32 s8, $0xFFFFF086  }
0x1c: {  	p1 =	slt.u32 s9, $0xF7A;
	s5 =	simm.s32 @!p2 $0x0  }
0x1d: {  	s5 =	simm.s32 @p1 $0x1;
	p0 =	seq.s32 s7, s2  }
0x1e: {  	s7 =	smul.u32 @!p0 $0xF7A, s2;
	p2 =	seq.s32 @!p0 s5, $0x0  }
0x1f: {  	s9 =	smul.u32 $0xF7A, s1;
	s8 =	simm.s32 @!p0 $0x1BF5;
	p2 =	por !p2, p0  }
0x20: {  	[sflag:s8] =	ssyncset.s32 @!p0 $0xFFFFF086;
	s6 =	sadd.s32 @!p0 s3, s7;
	s7 =	simm.s32 @!p0 $0x108  }
0x21: {  	s3 =	sadd.s32 s3, s9;
	s6 =	sadd.s32 @!p0 $0x88, s6;
	s7 =	simm.s32 @p2 $0x1082  }
0x22: {  	[simem:s7], [sflag:s8] =	dma.local @!p0 [hbm:s6], $0xF7A  }
0x23: {  	s9 =	sor.u32 $0xD0000000, s2;
	s6 =	simm.s32 $0x108;
	_ =	swait.ge @!p0 [sflag:s8], $0x0  }
0x24: {  	s3 =	sadd.s32 $0x88, s3;
	s6 =	simm.s32 @!p1 $0x1082;
	[sflag:s4] =	ssyncset.s32 $0xFFFFF086  }
0x25: {  	[simem:s6], [sflag:s4] =	dma.local [hbm:s3], $0xF7A  }
0x26: {  	[smem:$0x3F9A] =	sst s1;
	(tag) =	ssettag s2;
	_ =	strace s9  }
0x27: {  	s1 =	sld [smem:$0x3FAA]  }
0x28: {  	s2 =	sld [smem:$0x3FAB]  }
0x29: {  	s4 =	sld [smem:$0x3FAD]  }
0x2a: {  	p0 =	seq.s32 s5, $0x0;
	s5 =	sld [smem:$0x3FAE]  }
0x2b: {  	s6 =	sld [smem:$0x3FAF]  }
0x2c: {  	s7 =	sld [smem:$0x3FB0]  }
0x2d: {  	s3 =	simm.s32 $0x108;
	s8 =	sld [smem:$0x3FB1]  }
0x2e: {  	s3 =	simm.s32 @!p0 $0x1082;
	s9 =	sld [smem:$0x3FB2]  }
0x2f: {  	lr =	sadd.s32 s0, s3;
	s0 =	sld [smem:$0x3FA9]  }
0x30: {  	s3 =	sld [smem:$0x3FAC]  }
0x31: {  	[smem:$0x3FB5] =	sst s10  }
0x32: {  	s10 =	sld [smem:$0x3FB3];
	_ =	sdelay $0x3  }
0x33: {  	p0 =	seq.s32 s10, $0x1;
	s10 =	sld [smem:$0x3FB5];
	_ =	sdelay $0x3  }
0x34: {  	[smem:$0x3FB5] =	sst s10  }
0x35: {  	s10 =	sld [smem:$0x3FB4];
	_ =	sdelay $0x3  }
0x36: {  	p1 =	seq.s32 s10, $0x1;
	s10 =	sld [smem:$0x3FB5];
	_ =	sdelay $0x3  }
0x37: {  	[smem:$0x3FB5] =	sst s10  }
0x38: {  	s10 =	sld [smem:$0x3FB6]  }
0x39: {  	_ = 	snop;
	(pc) =	sbr.ind lr, $3  }
0x3a: {  	_ = 	snop  }
0x3b: {  	_ = 	snop  }
0x3c: {  	p2 =	seq.s32 s10, $0x1;
	s10 =	sld [smem:$0x3FB5]  }
0x3d: {  	_ =	shalt  }
0x3e: {  	_ =	shalt  }
0x3f: {  	_ =	shalt  }
0x40: {  	_ =	shalt  }
0x41: {  	_ =	shalt  }
0x42: {  	_ =	shalt  }
0x43: {  	_ =	shalt  }
0x44: {  	_ =	shalt  }
0x45: {  	_ =	shalt  }
0x46: {  	_ =	shalt  }
0x47: {  	_ =	shalt  }
0x48: {  	_ =	shalt  }
0x49: {  	_ =	shalt  }
0x4a: {  	_ =	shalt  }
0x4b: {  	_ =	shalt  }
0x4c: {  	_ =	shalt  }
0x4d: {  	_ =	shalt  }
0x4e: {  	_ =	shalt  }
0x4f: {  	_ =	shalt  }
0x50: {  	_ =	shalt  }
0x51: {  	_ =	shalt  }
0x52: {  	_ =	shalt  }
0x53: {  	_ =	shalt  }
0x54: {  	_ =	shalt  }
0x55: {  	_ =	shalt  }
0x56: {  	_ =	shalt  }
0x57: {  	_ =	shalt  }
0x58: {  	_ =	shalt  }
0x59: {  	_ =	shalt  }
0x5a: {  	_ =	shalt  }
0x5b: {  	_ =	shalt  }
0x5c: {  	_ =	shalt  }
0x5d: {  	_ =	shalt  }
0x5e: {  	_ =	shalt  }
0x5f: {  	_ =	shalt  }
0x60: {  	_ =	shalt  }
0x61: {  	_ =	shalt  }
0x62: {  	_ =	shalt  }
0x63: {  	_ =	shalt  }
0x64: {  	_ =	shalt  }
0x65: {  	_ =	shalt  }
0x66: {  	_ =	shalt  }
0x67: {  	_ =	shalt  }
0x68: {  	_ =	shalt  }
0x69: {  	_ =	shalt  }
0x6a: {  	_ =	shalt  }
0x6b: {  	_ =	shalt  }
0x6c: {  	_ =	shalt  }
0x6d: {  	_ =	shalt  }
0x6e: {  	_ =	shalt  }
0x6f: {  	_ =	shalt  }
0x70: {  	_ =	shalt  }
0x71: {  	_ =	shalt  }
0x72: {  	_ =	shalt  }
0x73: {  	_ =	shalt  }
0x74: {  	_ =	shalt  }
0x75: {  	_ =	shalt  }
0x76: {  	_ =	shalt  }
0x77: {  	_ =	shalt  }
0x78: {  	_ =	shalt  }
0x79: {  	_ =	shalt  }
0x7a: {  	_ =	shalt  }
0x7b: {  	_ =	shalt  }
0x7c: {  	_ =	shalt  }
0x7d: {  	_ =	shalt  }
0x7e: {  	_ =	shalt  }
0x7f: {  	_ =	shalt  }
0x80: {  	_ =	shalt  }
0x81: {  	_ =	shalt  }
0x82: {  	_ =	shalt  }
0x83: {  	_ =	shalt  }
0x84: {  	_ =	shalt  }
0x85: {  	_ =	shalt  }
0x86: {  	_ =	shalt  }
0x87: {  	_ =	shalt  }
.Lfunc_end0:
.L_simem_size_0:
called_computation_lowered:
.L_overlay_start_0:
0x88: {  	s2 =	sld [smem:$0x3FD9]  }
0x89: {  	s3 =	sld [smem:$0x3FFE];
	_ =	sdelay $0x1  }
0x8a: {  	s1 =	srdreg.scid  }
0x8b: {  	s0 =	sand.u32 $0x1, s1  }
0x8c: {  	s17 =	sshll.u32 s0, $0xA;
	s2 =	sadd.s32 s3, s2  }
0x8d: {  	s2 =	sadd.s32 s2, s17  }
0x8e: {  	[smem:$0x3FC1] =	sst s2  }
0x8f: {  	_ = 	snop  }
0x90: {  	s2 =	sld [smem:$0x3FC7]  }
0x91: {  	s18 =	sld [smem:$0x3FD0];
	(tm) =	ssettm $0x1  }
0x92: {  	s4 =	sld [smem:$0x3FFB];
	_ =	sdelay $0x3  }
0x93: {  	_ =	strace s4  }
0x94: {  	s4 =	sld [smem:$0x3FFC];
	_ =	sdelay $0x3  }
0x95: {  	_ =	strace s4  }
0x96: {  	s4 =	sld [smem:$0x3FFD];
	_ =	sdelay $0x3  }
0x97: {  	_ =	strace s4  }
0x98: {  	_ =	strace $0x8FFFFFFF  }
0x99: {  	s19 =	sld [smem:$0x3FDB];
	_ =	sdelay $0x1  }
0x9a: {  	s5 =	simm.s32 $_scs_section_size  }
0x9b: {  	s6 =	simm.s32 $_size__tile_overlayer_lowered;
	s7 =	simm.s32 $_tile_overlayer_lowered  }
0x9c: {  	s22 =	simm.s32 $0x1BFF;
	s21 =	sshll.u32 s7, $0x1;
	s4 =	sadd.s32 s5, s19  }
0x9d: {  	s8 =	simm.s32 $0x0;
	s20 =	sshll.u32 s6, $0x1;
	s6 =	sadd.s32 s21, s4  }
0x9e: {  	[timem:s8], [sflag:s22] =	dma.local [hbm:s6], s20  }
0x9f: {  	_ =	swait.ge [sflag:s22], s20  }
0xa0: {  	s5 =	ssub.s32 $0x0, s20;
	[sflag:s22] =	ssyncset.done $0x0  }
0xa1: {  	[sflag:s22] =	ssyncadd.s32 s5;
	_ =	sdelay $0x1  }
0xa2: {  	s23 =	simm.s32 $0x1B8B  }
0xa3: {  	_ =	swait.ge [sflag:s23], $0x1  }
0xa4: {  	[sflag:s23] =	ssyncset.done $0x0  }
0xa5: {  	s25 =	simm.s32 $0x1B8E;
	s24 =	sld [smem:$0x3FFE];
	[sflag:s23] =	ssyncadd.s32 $0xFFFFFFFF  }
0xa6: {  	s26 =	simm.s32 $execute0_lowered;
	[smem:$0x3FD2] =	sst s25  }
0xa7: {  	s6 =	sshll.u32 s26, $0x1;
	_ =	strace $0x80000046;
	[dreg:$0x1] =	wrdreg $0xFFFFFFFF  }
0xa8: {  	s28 =	simm.s32 $_size_execute0_lowered;
	s4 =	sadd.s32 s4, s6;
	[dreg:$0x0] =	wrdreg $0x0  }
0xa9: {  	s6 =	sshll.u32 s28, $0x1;
	[dreg:$0x2] =	wrdreg s4  }
0xaa: {  	[dreg:$0x3] =	wrdreg s6  }
0xab: {  	[dreg:$0x4] =	wrdreg $0xC0  }
0xac: {  	_ =	task [dreg:s8], $0x5FFFF  }
0xad: {  	[dreg:$0x1] =	wrdreg $0xFFFFFFFF  }
0xae: {  	[dreg:$0x0] =	wrdreg $0x60  }
0xaf: {  	[dreg:$0x2] =	wrdreg s24  }
0xb0: {  	[dreg:$0x3] =	wrdreg s18  }
0xb1: {  	[dreg:$0x4] =	wrdreg s2  }
0xb2: {  	[dreg:$0x5] =	wrdreg $0xC7000  }
0xb3: {  	[dreg:$0x6] =	wrdreg $0x9  }
0xb4: {  	_ =	task.clear_ibuf [dreg:s8], $0x7FFFF;
	_ =	strace $0x90000046  }
0xb5: {  	s29 =	simm.s32 $0x9;
	_ =	strace $0x80000048  }
0xb6: {  	_ =	swait.ge [sflag:s29], $0x1  }
0xb7: {  	[sflag:s29] =	ssyncadd.s32 $0xFFFFFFFF  }
0xb8: {  	_ =	strace $0x90000048  }
0xb9: {  	_ =	sfence  }
0xba: {  	s30 =	sld [smem:$0x0];
	_ =	sdelay $0x2  }
0xbb: {  	s31 =	sshll.u32 s1, $0xD;
	s1 =	sshrl.u32 s1, $0x2  }
0xbc: {  	s3 =	sand.u32 $0x4000, s31;
	s1 =	sadd.s32 s1, s30  }
0xbd: {  	s0 =	sor.u32 s3, s0;
	s1 =	sshll.u32 s1, $0x11  }
0xbe: {  	s0 =	sor.u32 s1, s0  }
0xbf: {  	s0 =	sadd.s32 $0x8F2B, s0  }
0xc0: {  	[sflag:s0] =	ssyncadd.remote.s32 $0x1  }
0xc1: {  	_ =	sfence.sel $0xFFFF  }
0xc2: {  	[dreg:$0x0] =	wrdreg $0xFFFFFFFF;
	(pc) =	sbr.abs _section_cstart, $3  }
0xc3: {  	[dreg:$0x1] =	wrdreg $0xFFFFFFFF  }
0xc4: {  	_ =	task.clear_ibuf [dreg:s8], $0x2FFFF;
	_ =	strace $0x9FFFFFFF  }
0xc5: {  	(tm) =	ssettm $0x7FFFFFFF  }
tec
execute0_lowered:
.L_overlay_start_1:
0x0: {  	(tag) =	ssettag $0x1  }
0x1: {  	s0 =	rddreg [dreg:$0x0]  }
0x2: {  	s1 =	rddreg [dreg:$0x1];
	s2 =	srdreg.scid  }
0x3: {  	s6 =	rddreg [dreg:$0x2];
	s23 =	stileid.u32  }
0x4: {  	s3 =	simm.s32 $0x0;
	s20 =	simm.s32 $0x7;
	s21 =	simm.s32 $0x2780  }
0x5: {  	s22 =	simm.s32 $0x50;
	s24 =	stileid.u32;
	s25 =	simm.s32 $0x4F00  }
0x6: {  	s26 =	simm.s32 $0x6;
	s10 =	sand.u32 $0x1, s2;
	s2 =	rddreg [dreg:$0x3]  }
0x7: {  	s28 =	simm.s32 $0x0;
	[smem:$0x7FF] =	sst s3;
	s7 =	smul.u32 $0x4E000, s23  }
0x8: {  	s16 =	smul.u32 $0x13800, s23;
	p0 =	sne.s32 s23, $0xF;
	s4 =	sshll.u32 s10, $0x4  }
0x9: {  	_ =	strace $0x80000047;
	s5 =	ssub.s32 $0x2, s10;
	s31 =	smul.u32 $0x138800, s10  }
0xa: {  	s4 =	sor.u32 s23, s4;
	s11 =	sshrl.u32 s5, $0x1;
	s7 =	sshrl.u32 s7, $0x2  }
0xb: {  	s8 =	smul.u32 $0x4E2, s4;
	s4 =	sadd.s32 $0xA400, s0;
	s19 =	ssub.s32 s5, s11  }
0xc: {  	s7 =	sadd.s32 s7, s2;
	s17 =	sadd.s32 s16, s31;
	s16 =	sadd.s32 $0x138000, s2  }
0xd: {  	s10 =	sadd.s32 $0x5000, s7;
	s11 =	sadd.s32 $0x7800, s7;
	s12 =	sadd.s32 $0xA000, s7  }
0xe: {  	s13 =	sadd.s32 $0xC800, s7;
	s14 =	sadd.s32 $0xF000, s7;
	s15 =	sadd.s32 $0x11800, s7  }
0xf: {  	s17 =	sshrl.u32 s17, $0x3;
	s9 =	sadd.s32 s8, s0;
	s0 =	sadd.s32 $0x142C00, s0  }
0x10: {  	s6 =	sadd.s32 s6, s8;
	s8 =	sadd.s32 s1, s8;
	s1 =	sshrl.u32 s31, $0x3  }
0x11: {  	s19 =	smax.u32 s19, $0x1;
	s5 =	sadd.s32 $0x600, s9;
	s1 =	sadd.s32 s0, s1  }
0x12: {  	v0 =	vimm.f32 $0.0e+00;
	s9 =	sadd.s32 $0x2800, s7;
	s17 =	sadd.s32 s0, s17;
	s18 =	sadd.s32 $0x27000, s1  }
.LBB2_1:
0x13: {  	[tilespmem:s3], [sflag:$0x7] =	stream.linear.gather [hbm4b:s5+s3], $0x2710, $0x38;
	[tilespmem:$0x1FF80] =	vst v63  }
0x14: {  	_ =	swait.ge [sflag:s20], $0x2710  }
0x15: {  	[sflag:s20] =	ssyncset.done $0x0  }
0x16: {  	[sflag:s20] =	ssyncadd.s32 $0xFFFFD8F0  }
0x17: {  	[tilespmem:s21], [sflag:$0x7] =	stream.linear.gather [hbm4b:s6+s3], $0x2710, $0x38;
	[tilespmem:$0x1FF80] =	vst v63  }
0x18: {  	_ =	swait.ge [sflag:s20], $0x2710  }
0x19: {  	[sflag:s20] =	ssyncset.done $0x0  }
0x1a: {  	s29 =	simm.s32 $0x0;
	[sflag:s20] =	ssyncadd.s32 $0xFFFFD8F0  }
0x1b: {  	v2 =	vld [tilespmem:s29+$0x2780];
	_ =	sdelay $0x1  }
0x1c: {  	v1 =	vld [tilespmem:s29+$0x0];
	_ =	sdelay $0x2  }
0x1d: {  	v2 =	vmul.u32 $0x2710, v2  }
0x1e: {  	s0 =	simm.s32 $0x10;
	s30 =	simm.s32 $0x80  }
.LBB2_2:
0x1f: {  	p1 =	sne.s32 s30, $0x9C00;
	v3 =	vld [tilespmem:s0+$0x2780];
	v1 =	vadd.s32 v1, v2  }
0x20: {  	[tilespmem:s29+$0x0] =	vst v1;
	s29 =	smov.u32 s0  }
.Ltmp0:
0x21: {  	v1 =	vld [tilespmem:s29+$0x0];
	(pc) =	sbr.rel @p1 .LBB2_2-.Ltmp0, $3  }
0x22: {  	_ =	sdelay $0x1  }
0x23: {  	v2 =	vmul.u32 $0x2710, v3  }
0x24: {  	s0 =	sshra.s32 s30, $0x2;
	s30 =	sadd.s32 $0x40, s30  }
0x25: {  	v3 =	vld [tilespmem:s0+$0x2780];
	v1 =	vadd.s32 v1, v2  }
0x26: {  	[tilespmem:s29+$0x0] =	vst v1  }
0x27: {  	v1 =	vld [tilespmem:s0+$0x0];
	_ =	sdelay $0x2  }
0x28: {  	v2 =	vmul.u32 $0x2710, v3;
	_ =	sdelay $0x1  }
0x29: {  	v1 =	vadd.s32 v1, v2  }
0x2a: {  	s29 =	simm.s32 $0x0;
	[tilespmem:s0+$0x0] =	vst v1  }
0x2b: {  	[tilespmem:s21], [sflag:$0x7] =	stream.linear.gather [hbm4b:s8+s29], $0x2710, $0x38;
	[tilespmem:$0x1FF80] =	vst v63  }
0x2c: {  	_ =	swait.ge [sflag:s20], $0x2710  }
0x2d: {  	[sflag:s20] =	ssyncset.done $0x0  }
0x2e: {  	s23 =	simm.s32 $0x7700;
	[sflag:s20] =	ssyncadd.s32 $0xFFFFD8F0  }
0x2f: {  	[tilespmem:s23], [sflag:$0x2] =	stream.indirect.gather [hbm4b:s4+s22], $0x80, s29, s22, $0xb8;
	[tilespmem:$0x1FF80] =	vst v63  }
0x30: {  	s30 =	simm.s32 $0x9F00;
	s31 =	sand.u32 $0xFE00, s29  }
0x31: {  	[tilespmem:s30], [sflag:$0x3] =	stream.indirect.gather [hbm4b:s4+s22], $0x80, s22, s22, $0xb8;
	[tilespmem:$0x1FF80] =	vst v63  }
0x32: {  	s1 =	sand.u32 $0x70, s29;
	s30 =	sshrl.u32 s31, $0x2  }
0x33: {  	s0 =	simm.s32 $0x40;
	s1 =	sor.u32 s1, s30  }
.LBB2_4:
0x34: {  	p1 =	sne.s32 s0, $0x9FC0  }
0x35: {  	[tilespmem:s1+$0x4F00] =	vst v0;
	s29 =	sadd.s32 $0x10, s29;
	s1 =	smov.u32 s0;
	s0 =	sadd.s32 $0x40, s0  }
.Ltmp1:
0x36: {  	(pc) =	sbr.rel @p1 .LBB2_4-.Ltmp1, $4  }
0x37: {  	_ = 	snop  }
0x38: {  	s1 =	sand.u32 $0xFE00, s1  }
0x39: {  	s30 =	sand.u32 $0x70, s29;
	s1 =	sshrl.u32 s1, $0x2  }
0x3a: {  	s1 =	sor.u32 s30, s1  }
0x3b: {  	[tilespmem:s1+$0x4F00] =	vst v0  }
0x3c: {  	[spmem:s7] =	stream.linear.scatter [tilespmem:s25], [sflag:$0x7], $0x2800, $0x38;
	[tilespmem:$0x1FF80] =	vst v63  }
0x3d: {  	_ =	swait.ge [sflag:s20], $0x2800  }
0x3e: {  	[sflag:s20] =	ssyncset.done $0x0  }
0x3f: {  	[sflag:s20] =	ssyncadd.s32 $0xFFFFD800  }
0x40: {  	[spmem:s9] =	stream.linear.scatter [tilespmem:s25], [sflag:$0x7], $0x2800, $0x38;
	[tilespmem:$0x1FF80] =	vst v63  }
0x41: {  	_ =	swait.ge [sflag:s20], $0x2800  }
0x42: {  	[sflag:s20] =	ssyncset.done $0x0  }
0x43: {  	[sflag:s20] =	ssyncadd.s32 $0xFFFFD800  }
0x44: {  	[spmem:s10] =	stream.linear.scatter [tilespmem:s25], [sflag:$0x7], $0x2800, $0x38;
	[tilespmem:$0x1FF80] =	vst v63  }
0x45: {  	_ =	swait.ge [sflag:s20], $0x2800  }
0x46: {  	[sflag:s20] =	ssyncset.done $0x0  }
0x47: {  	[sflag:s20] =	ssyncadd.s32 $0xFFFFD800  }
0x48: {  	[spmem:s11] =	stream.linear.scatter [tilespmem:s25], [sflag:$0x7], $0x2800, $0x38;
	[tilespmem:$0x1FF80] =	vst v63  }
0x49: {  	_ =	swait.ge [sflag:s20], $0x2800  }
0x4a: {  	[sflag:s20] =	ssyncset.done $0x0  }
0x4b: {  	[sflag:s20] =	ssyncadd.s32 $0xFFFFD800  }
0x4c: {  	[spmem:s12] =	stream.linear.scatter [tilespmem:s25], [sflag:$0x7], $0x2800, $0x38;
	[tilespmem:$0x1FF80] =	vst v63  }
0x4d: {  	_ =	swait.ge [sflag:s20], $0x2800  }
0x4e: {  	[sflag:s20] =	ssyncset.done $0x0  }
0x4f: {  	[sflag:s20] =	ssyncadd.s32 $0xFFFFD800  }
0x50: {  	[spmem:s13] =	stream.linear.scatter [tilespmem:s25], [sflag:$0x7], $0x2800, $0x38;
	[tilespmem:$0x1FF80] =	vst v63  }
0x51: {  	_ =	swait.ge [sflag:s20], $0x2800  }
0x52: {  	[sflag:s20] =	ssyncset.done $0x0  }
0x53: {  	[sflag:s20] =	ssyncadd.s32 $0xFFFFD800  }
0x54: {  	[spmem:s14] =	stream.linear.scatter [tilespmem:s25], [sflag:$0x7], $0x2800, $0x38;
	[tilespmem:$0x1FF80] =	vst v63  }
0x55: {  	_ =	swait.ge [sflag:s20], $0x2800  }
0x56: {  	[sflag:s20] =	ssyncset.done $0x0  }
0x57: {  	[sflag:s20] =	ssyncadd.s32 $0xFFFFD800  }
0x58: {  	[spmem:s15] =	stream.linear.scatter [tilespmem:s25], [sflag:$0x7], $0x2000, $0x38;
	[tilespmem:$0x1FF80] =	vst v63  }
0x59: {  	_ =	swait.ge [sflag:s20], $0x2000  }
0x5a: {  	[sflag:s20] =	ssyncset.done $0x0  }
0x5b: {  	s0 =	simm.s32 @!p0 $0x4F00;
	[sflag:s20] =	ssyncadd.s32 $0xFFFFE000  }
0x5c: {  	[spmem:s16] =	stream.linear.scatter @!p0 [tilespmem:s0], [sflag:$0x7], $0x800, $0x38;
	[tilespmem:$0x1FF80] =	vst v63  }
0x5d: {  	s0 =	simm.s32 @!p0 $0x7  }
0x5e: {  	_ =	swait.ge @!p0 [sflag:s0], $0x800  }
0x5f: {  	[sflag:s0] =	ssyncset.done @!p0 $0x0  }
0x60: {  	s29 =	simm.s32 $0x0;
	[sflag:s0] =	ssyncadd.s32 @!p0 $0xFFFFF800  }
0x61: {  	s30 =	simm.s32 $0x2780;
	s31 =	simm.s32 $0xA0;
	[bflag:$0x0] =	sbarrier.arrive $0xFFFF  }
.LBB2_6:
0x62: {  	s0 =	smul.u32 $0xAB, s29;
	_ =	sdelay $0x1  }
0x63: {  	s1 =	sshrl.u32 s0, $0x9  }
0x64: {  	s1 =	sand.u32 $0x7F, s1  }
0x65: {  	s1 =	smul.u32 $0x3, s1;
	_ =	sdelay $0x1  }
0x66: {  	s1 =	ssub.s32 s29, s1  }
0x67: {  	p1 =	seq.s32 s29, $0x0;
	s0 =	sadd.s32 $0xAB, s0;
	s1 =	sand.u32 $0xFF, s1  }
0x68: {  	s0 =	sshrl.u32 s0, $0x9;
	s23 =	sadd.s32 @!p1 $0x4, s1  }
0x69: {  	p2 =	sgt.u32 @!p1 s29, $0x7A;
	s0 =	sand.u32 $0x7F, s0;
	_ =	swait.ge @!p1 [sflag:s23], $0x2800  }
0x6a: {  	p2 =	por p1, !p2;
	s0 =	smul.u32 $0x3, s0;
	[sflag:s23] =	ssyncset.done @!p1 $0x0  }
0x6b: {  	[sflag:s23] =	ssyncadd.s32 @!p1 $0xFFFFD800;
	s23 =	smul.u32 @p2 $0xA000, s1  }
0x6c: {  	s29 =	sadd.s32 $0x1, s29  }
0x6d: {  	s0 =	ssub.s32 s29, s0;
	s23 =	sshrl.u32 @p2 s23, $0x2  }
0x6e: {  	s0 =	sand.u32 $0xFF, s0;
	s1 =	sadd.s32 @p2 $0x1, s1;
	s23 =	sadd.s32 @p2 $0x4F00, s23  }
0x6f: {  	[tilespmem:s23], [sflag:s1] =	stream.indirect.gather @p2 [hbm4b:s4+s22], $0x80, s31, s22, $0xb8;
	[tilespmem:$0x1FF80] =	vst v63  }
0x70: {  	p1 =	sne.s32 s29, $0x7D;
	s1 =	smul.u32 $0xA000, s0;
	s23 =	sadd.s32 $0x1, s0  }
.Ltmp2:
0x71: {  	_ =	swait.ge [sflag:s23], $0x2800;
	(pc) =	sbr.rel @p1 .LBB2_6-.Ltmp2, $4  }
0x72: {  	s1 =	sshrl.u32 s1, $0x2;
	[sflag:s23] =	ssyncset.done $0x0  }
0x73: {  	s0 =	sadd.s32 $0x4, s0;
	s1 =	sadd.s32 $0x4F00, s1;
	[sflag:s23] =	ssyncadd.s32 $0xFFFFD800  }
0x74: {  	[spmem:s2] =	stream.indirect.scatter.add.f32 [tilespmem:s1], [sflag:s0], $0x80, s30, s22, $0xb8;
	[tilespmem:$0x1FF80] =	vst v63  }
0x75: {  	s31 =	sadd.s32 $0x50, s31;
	s30 =	sadd.s32 $0x50, s30  }
0x76: {  	_ =	swait.ge [sflag:s26], $0x2800  }
0x77: {  	[sflag:s26] =	ssyncset.done $0x0  }
0x78: {  	s0 =	sshll.u32 s24, $0x6;
	[sflag:s26] =	ssyncadd.s32 $0xFFFFD800  }
0x79: {  	s1 =	sshrl.u32 s7, $0x3;
	s0 =	sor.u32 $0x1C07, s0;
	[bflag:$0x0] =	sbarrier.arrive $0xFFFF  }
0x7a: {  	[hbm:s17], [sflag:s0] =	dma.local [spmem:s1], $0x2700  }
0x7b: {  	_ =	swait.ge [sflag:s20], $0x2700  }
0x7c: {  	s28 =	sadd.s32 $0x1, s28;
	[sflag:s20] =	ssyncset.done $0x0  }
0x7d: {  	p1 =	sne.s32 s28, s19;
	s1 =	sshrl.u32 @!p0 s16, $0x3;
	[sflag:s20] =	ssyncadd.s32 $0xFFFFD900  }
0x7e: {  	[hbm:s18], [sflag:s0] =	dma.local @!p0 [spmem:s1], $0x100  }
.Ltmp3:
0x7f: {  	_ = 	snop;
	(pc) =	sbr.rel @p1 .LBB2_1-.Ltmp3, $4  }
0x80: {  	s0 =	simm.s32 @!p0 $0x7  }
0x81: {  	_ =	swait.ge @!p0 [sflag:s0], $0x100  }
0x82: {  	[sflag:s0] =	ssyncset.done @!p0 $0x0  }
0x83: {  	[sflag:s0] =	ssyncadd.s32 @!p0 $0xFFFFFF00  }
0x84: {  	_ =	sfence.sel $0x180000  }
0x85: {  	[bflag:$0x0] =	sbarrier.arrive $0xFFFF  }
0x86: {  	_ =	strace $0x90000047  }
0x87: {  	[bflag:$0x2] =	sbarrier.arrive $0xFFFF  }
0x88: {  	p0 =	sne.s32 s24, $0x0;
	s0 =	rddreg [dreg:$0x4]  }
0x89: {  	s0 =	sadd.s32 @!p0 $0x100000, s0  }
0x8a: {  	[sflag:s0] =	ssyncadd.tile.s32 @!p0 $0x1;
	_ =	shalt  }
.Lfunc_end2:
_tile_overlayer_lowered:
.L_overlay_start_2:
0x8b: {  	(tag) =	ssettag $0x2  }
0x8c: {  	s0 =	rddreg [dreg:$0x0];
	s2 =	stileid.u32  }
0x8d: {  	s1 =	rddreg [dreg:$0x1];
	p0 =	sne.s32 s2, $0x0  }
0x8e: {  	s3 =	rddreg [dreg:$0x2];
	[bflag:$0x3] =	sbarrier.arrive $0xFFFF;
	s2 =	simm.s32 @!p0 $0x1C07  }
0x8f: {  	[timem:s3], [sflag:s2] =	dma.local @!p0 [hbm:s0], s1  }
0x90: {  	s0 =	simm.s32 @!p0 $0x7  }
0x91: {  	_ =	swait.ge @!p0 [sflag:s0], s1  }
0x92: {  	s1 =	ssub.s32 @!p0 $0x0, s1;
	[sflag:s0] =	ssyncset.done @!p0 $0x0  }
0x93: {  	[sflag:s0] =	ssyncadd.s32 @!p0 s1  }
0x94: {  	[bflag:$0x3] =	sbarrier.arrive $0xFFFF  }
0x95: {  	_ =	shalt  }

</sc_bundles>
